<compile_context>
chip_gen: v7x
topology: tpu7x:2x2x1
jax: 0.10.2.dev20260603
libtpu: 0.0.44.dev20260713+nightly
codegen_flags: <defaults>
</compile_context>

<pallas_src>
import functools

import jax
import jax.numpy as jnp
from jax import lax
from jax.experimental import pallas as pl
from jax.experimental.pallas import tpu as pltpu
from jax.experimental.pallas import tpu_sc as plsc

NUM_EMB = 1000000
D = 64
DP = 128
B = 4096
S = 200
TOTAL = B * S
NC = 2
NS = 16
NW = NC * NS
PER_W = TOTAL // NW
CHUNK = 128
N_CHUNK = PER_W // CHUNK
NBUF = 8
N_ROUND = N_CHUNK // NBUF

_mesh = plsc.VectorSubcoreMesh(core_axis_name="c", subcore_axis_name="s")


@functools.partial(
    pl.kernel,
    out_type=jax.ShapeDtypeStruct((TOTAL, DP), jnp.float32),
    mesh=_mesh,
    compiler_params=pltpu.CompilerParams(use_tc_tiling_on_sc=False),
    scratch_types=[
        pltpu.VMEM((N_CHUNK, CHUNK), jnp.int32),
        pltpu.VMEM((NBUF, CHUNK, D), jnp.float32),
        pltpu.SemaphoreType.DMA((NBUF,)),
        pltpu.SemaphoreType.DMA((NBUF,)),
    ],
)
def _embed_sc(table_hbm, idx_hbm, out_hbm, idx_v, rows_v, gsem, ssem):
    wid = lax.axis_index("s") * NC + lax.axis_index("c")
    pltpu.sync_copy(idx_hbm.at[pl.ds(wid * N_CHUNK, N_CHUNK)], idx_v)
    base = wid * PER_W

    def fire_gather(g, b):
        pltpu.async_copy(table_hbm.at[idx_v.at[g]], rows_v.at[b], gsem.at[b])

    def wait_gather(b):
        pltpu.make_async_copy(
            table_hbm.at[idx_v.at[0]], rows_v.at[b], gsem.at[b]).wait()

    def fire_store(g, b):
        pltpu.async_copy(
            rows_v.at[b],
            out_hbm.at[pl.ds(base + g * CHUNK, CHUNK), pl.ds(0, D)],
            ssem.at[b])

    def wait_store(b):
        pltpu.make_async_copy(
            rows_v.at[b], out_hbm.at[pl.ds(base, CHUNK), pl.ds(0, D)],
            ssem.at[b]).wait()

    for b in range(NBUF):
        fire_gather(b, b)

    @pl.loop(0, N_ROUND - 1)
    def _round(r):
        g0 = r * NBUF
        for b in range(NBUF):
            wait_gather(b)
            fire_store(g0 + b, b)
        for b in range(NBUF):
            wait_store(b)
            fire_gather(g0 + NBUF + b, b)

    g0 = (N_ROUND - 1) * NBUF
    for b in range(NBUF):
        wait_gather(b)
        fire_store(g0 + b, b)
    for b in range(NBUF):
        wait_store(b)


def kernel(token_ids, embeddings):
    flat = token_ids.reshape(NW * N_CHUNK, CHUNK)
    res = _embed_sc(embeddings, flat)
    return res[:, :D].reshape(B, S, D)

# --- scband reference (transcript-rebuilt; emitter-appended) ---
"""Pipeline reference for scband-embedding-46600395162345 (READ-ONLY COPY).

The authoritative reference and input builder live on the scoring server;
editing this copy changes nothing except your own understanding.
"""

import jax, jax.numpy as jnp
import numpy as np

NUM_EMBEDDINGS = 1000000
EMBEDDING_DIM = 64
BATCH = 4096
SEQ = 200

def setup_inputs(seed: int = 0) -> dict:
    key = jax.random.key(seed)
    k_idx, k_emb = jax.random.split(key)
    token_ids = jax.random.randint(k_idx, (BATCH, SEQ), 0, NUM_EMBEDDINGS, dtype=jnp.int64 if jax.config.jax_enable_x64 else jnp.int32)
    # trunc_normal_(mean=0, std=1, a=-3, b=3) approximated via clipped normal
    embeddings = jnp.clip(jax.random.normal(k_emb, (NUM_EMBEDDINGS, EMBEDDING_DIM), dtype=jnp.float32), -3.0, 3.0)
    return {"token_ids": token_ids, "embeddings": embeddings}

def reference(token_ids, embeddings):
    b, s = token_ids.shape
    flat = token_ids.reshape(b * s)
    x = jnp.take(embeddings, flat, axis=0)
    x = x.reshape(b, s, embeddings.shape[1])
    return x

if __name__ == "__main__":
    import jax
    _d = setup_inputs()
    print(jax.jit(kernel)(*tuple(_d.values())))

</pallas_src>

<mosaic_0001>
#map = affine_map<(d0, d1) -> (0, 0)>
module attributes {stable_mosaic.version = 14 : i64} {
  func.func @_embed_sc(%arg0: i32, %arg1: i32, %arg2: memref<1000000x64xf32, #tpu.memory_space<hbm>>, %arg3: memref<6400x128xi32, #tpu.memory_space<hbm>>, %arg4: memref<819200x128xf32, #tpu.memory_space<hbm>>, %arg5: memref<200x128xi32, #tpu.memory_space<vmem>>, %arg6: memref<8x128x64xf32, #tpu.memory_space<vmem>>, %arg7: memref<8x!tpu.dma_semaphore, #tpu.memory_space<semaphore_mem>>, %arg8: memref<8x!tpu.dma_semaphore, #tpu.memory_space<semaphore_mem>>) attributes {dimension_semantics = [#tpu.dimension_semantics<core_parallel>, #tpu.dimension_semantics<subcore_parallel>], iteration_bounds = array<i64: 2, 16>, scalar_prefetch = 0 : i64, scratch_operands = 4 : i64, tpu.core_type = #tpu.core_type<sc_vector_subcore>, window_params = [{transform_indices = #map}, {transform_indices = #map}, {transform_indices = #map}]} {
    %mul3A = arith.constant 2 : i32
    %mul3A_0 = arith.muli %arg1, %mul3A : i32
    %add3A = arith.addi %mul3A_0, %arg0 : i32
    %mul3A_1 = arith.constant 200 : i32
    %mul3A_2 = arith.muli %add3A, %mul3A_1 : i32
    "tpu.region"() ({
      %run_scoped3A = tpu.sem_alloc : memref<!tpu.dma_semaphore, #tpu.memory_space<semaphore_mem>>
      %dma_start3A_519 = arith.constant 0 : i32
      %dma_start3A_520 = tpu.memref_slice %arg3[%mul3A_2, %dma_start3A_519] : memref<6400x128xi32, #tpu.memory_space<hbm>> -> memref<200x128xi32, #tpu.memory_space<hbm>>
      %dma_start3A_521 = arith.constant 0 : i32
      %dma_start3A_522 = tpu.memref_slice %arg3[%mul3A_2, %dma_start3A_521] : memref<6400x128xi32, #tpu.memory_space<hbm>> -> memref<200x128xi32, #tpu.memory_space<hbm>>
      tpu.enqueue_dma source(%dma_start3A_522 : memref<200x128xi32, #tpu.memory_space<hbm>>) target(%arg5 : memref<200x128xi32, #tpu.memory_space<vmem>>) target_semaphore(%run_scoped3A : memref<!tpu.dma_semaphore, #tpu.memory_space<semaphore_mem>>)
      %dma_wait3A_523 = arith.constant 0 : i32
      %dma_wait3A_524 = tpu.memref_slice %arg3[%mul3A_2, %dma_wait3A_523] : memref<6400x128xi32, #tpu.memory_space<hbm>> -> memref<200x128xi32, #tpu.memory_space<hbm>>
      %dma_wait3A_525 = arith.constant 0 : i32
      %dma_wait3A_526 = tpu.memref_slice %arg3[%mul3A_2, %dma_wait3A_525] : memref<6400x128xi32, #tpu.memory_space<hbm>> -> memref<200x128xi32, #tpu.memory_space<hbm>>
      tpu.wait_dma2 semaphore(%run_scoped3A : memref<!tpu.dma_semaphore, #tpu.memory_space<semaphore_mem>>) src(%dma_wait3A_526 : memref<200x128xi32, #tpu.memory_space<hbm>>) dst(%arg5 : memref<200x128xi32, #tpu.memory_space<vmem>>)
      tpu.yield
    }) : () -> ()
    %mul3A_3 = arith.constant 25600 : i32
    %mul3A_4 = arith.muli %add3A, %mul3A_3 : i32
    %dma_start3A = arith.constant 0 : i32
    %dma_start3A_5 = arith.constant 0 : i32
    %dma_start3A_6 = arith.constant 0 : i32
    %dma_start3A_7 = arith.constant 0 : i32
    %dma_start3A_8 = arith.constant 0 : i32
    %dma_start3A_9 = tpu.memref_slice %arg6[%dma_start3A_5, %dma_start3A_7, %dma_start3A_8] : memref<8x128x64xf32, #tpu.memory_space<vmem>> -> memref<1x128x64xf32, #tpu.memory_space<vmem>>
    %dma_start3A_10 = tpu.memref_squeeze %dma_start3A_9 : memref<1x128x64xf32, #tpu.memory_space<vmem>> -> memref<128x64xf32, #tpu.memory_space<vmem>>
    %dma_start3A_11 = arith.constant 0 : i32
    %dma_start3A_12 = tpu.memref_slice %arg5[%dma_start3A, %dma_start3A_11] : memref<200x128xi32, #tpu.memory_space<vmem>> -> memref<1x128xi32, #tpu.memory_space<vmem>>
    %dma_start3A_13 = tpu.memref_squeeze %dma_start3A_12 : memref<1x128xi32, #tpu.memory_space<vmem>> -> memref<128xi32, #tpu.memory_space<vmem>>
    %dma_start3A_14 = arith.constant 0 : i32
    %dma_start3A_15 = arith.constant 0 : i32
    %dma_start3A_16 = tpu.memref_slice %arg2[%dma_start3A_14, %dma_start3A_15] : memref<1000000x64xf32, #tpu.memory_space<hbm>> -> memref<1000000x64xf32, #tpu.memory_space<hbm>>
    %dma_start3A_17 = tpu.memref_slice %arg7[%dma_start3A_6] : memref<8x!tpu.dma_semaphore, #tpu.memory_space<semaphore_mem>> -> memref<1x!tpu.dma_semaphore, #tpu.memory_space<semaphore_mem>>
    %dma_start3A_18 = tpu.memref_squeeze %dma_start3A_17 : memref<1x!tpu.dma_semaphore, #tpu.memory_space<semaphore_mem>> -> memref<!tpu.dma_semaphore, #tpu.memory_space<semaphore_mem>>
    tpu.enqueue_indirect_dma source(%dma_start3A_16 : memref<1000000x64xf32, #tpu.memory_space<hbm>>) target(%dma_start3A_10 : memref<128x64xf32, #tpu.memory_space<vmem>>) offsets(%dma_start3A_13 : memref<128xi32, #tpu.memory_space<vmem>>) semaphore(%dma_start3A_18 : memref<!tpu.dma_semaphore, #tpu.memory_space<semaphore_mem>>)
    %dma_start3A_19 = arith.constant 1 : i32
    %dma_start3A_20 = arith.constant 1 : i32
    %dma_start3A_21 = arith.constant 1 : i32
    %dma_start3A_22 = arith.constant 0 : i32
    %dma_start3A_23 = arith.constant 0 : i32
    %dma_start3A_24 = tpu.memref_slice %arg6[%dma_start3A_20, %dma_start3A_22, %dma_start3A_23] : memref<8x128x64xf32, #tpu.memory_space<vmem>> -> memref<1x128x64xf32, #tpu.memory_space<vmem>>
    %dma_start3A_25 = tpu.memref_squeeze %dma_start3A_24 : memref<1x128x64xf32, #tpu.memory_space<vmem>> -> memref<128x64xf32, #tpu.memory_space<vmem>>
    %dma_start3A_26 = arith.constant 0 : i32
    %dma_start3A_27 = tpu.memref_slice %arg5[%dma_start3A_19, %dma_start3A_26] : memref<200x128xi32, #tpu.memory_space<vmem>> -> memref<1x128xi32, #tpu.memory_space<vmem>>
    %dma_start3A_28 = tpu.memref_squeeze %dma_start3A_27 : memref<1x128xi32, #tpu.memory_space<vmem>> -> memref<128xi32, #tpu.memory_space<vmem>>
    %dma_start3A_29 = arith.constant 0 : i32
    %dma_start3A_30 = arith.constant 0 : i32
    %dma_start3A_31 = tpu.memref_slice %arg2[%dma_start3A_29, %dma_start3A_30] : memref<1000000x64xf32, #tpu.memory_space<hbm>> -> memref<1000000x64xf32, #tpu.memory_space<hbm>>
    %dma_start3A_32 = tpu.memref_slice %arg7[%dma_start3A_21] : memref<8x!tpu.dma_semaphore, #tpu.memory_space<semaphore_mem>> -> memref<1x!tpu.dma_semaphore, #tpu.memory_space<semaphore_mem>>
    %dma_start3A_33 = tpu.memref_squeeze %dma_start3A_32 : memref<1x!tpu.dma_semaphore, #tpu.memory_space<semaphore_mem>> -> memref<!tpu.dma_semaphore, #tpu.memory_space<semaphore_mem>>
    tpu.enqueue_indirect_dma source(%dma_start3A_31 : memref<1000000x64xf32, #tpu.memory_space<hbm>>) target(%dma_start3A_25 : memref<128x64xf32, #tpu.memory_space<vmem>>) offsets(%dma_start3A_28 : memref<128xi32, #tpu.memory_space<vmem>>) semaphore(%dma_start3A_33 : memref<!tpu.dma_semaphore, #tpu.memory_space<semaphore_mem>>)
    %dma_start3A_34 = arith.constant 2 : i32
    %dma_start3A_35 = arith.constant 2 : i32
    %dma_start3A_36 = arith.constant 2 : i32
    %dma_start3A_37 = arith.constant 0 : i32
    %dma_start3A_38 = arith.constant 0 : i32
    %dma_start3A_39 = tpu.memref_slice %arg6[%dma_start3A_35, %dma_start3A_37, %dma_start3A_38] : memref<8x128x64xf32, #tpu.memory_space<vmem>> -> memref<1x128x64xf32, #tpu.memory_space<vmem>>
    %dma_start3A_40 = tpu.memref_squeeze %dma_start3A_39 : memref<1x128x64xf32, #tpu.memory_space<vmem>> -> memref<128x64xf32, #tpu.memory_space<vmem>>
    %dma_start3A_41 = arith.constant 0 : i32
    %dma_start3A_42 = tpu.memref_slice %arg5[%dma_start3A_34, %dma_start3A_41] : memref<200x128xi32, #tpu.memory_space<vmem>> -> memref<1x128xi32, #tpu.memory_space<vmem>>
    %dma_start3A_43 = tpu.memref_squeeze %dma_start3A_42 : memref<1x128xi32, #tpu.memory_space<vmem>> -> memref<128xi32, #tpu.memory_space<vmem>>
    %dma_start3A_44 = arith.constant 0 : i32
    %dma_start3A_45 = arith.constant 0 : i32
    %dma_start3A_46 = tpu.memref_slice %arg2[%dma_start3A_44, %dma_start3A_45] : memref<1000000x64xf32, #tpu.memory_space<hbm>> -> memref<1000000x64xf32, #tpu.memory_space<hbm>>
    %dma_start3A_47 = tpu.memref_slice %arg7[%dma_start3A_36] : memref<8x!tpu.dma_semaphore, #tpu.memory_space<semaphore_mem>> -> memref<1x!tpu.dma_semaphore, #tpu.memory_space<semaphore_mem>>
    %dma_start3A_48 = tpu.memref_squeeze %dma_start3A_47 : memref<1x!tpu.dma_semaphore, #tpu.memory_space<semaphore_mem>> -> memref<!tpu.dma_semaphore, #tpu.memory_space<semaphore_mem>>
    tpu.enqueue_indirect_dma source(%dma_start3A_46 : memref<1000000x64xf32, #tpu.memory_space<hbm>>) target(%dma_start3A_40 : memref<128x64xf32, #tpu.memory_space<vmem>>) offsets(%dma_start3A_43 : memref<128xi32, #tpu.memory_space<vmem>>) semaphore(%dma_start3A_48 : memref<!tpu.dma_semaphore, #tpu.memory_space<semaphore_mem>>)
    %dma_start3A_49 = arith.constant 3 : i32
    %dma_start3A_50 = arith.constant 3 : i32
    %dma_start3A_51 = arith.constant 3 : i32
    %dma_start3A_52 = arith.constant 0 : i32
    %dma_start3A_53 = arith.constant 0 : i32
    %dma_start3A_54 = tpu.memref_slice %arg6[%dma_start3A_50, %dma_start3A_52, %dma_start3A_53] : memref<8x128x64xf32, #tpu.memory_space<vmem>> -> memref<1x128x64xf32, #tpu.memory_space<vmem>>
    %dma_start3A_55 = tpu.memref_squeeze %dma_start3A_54 : memref<1x128x64xf32, #tpu.memory_space<vmem>> -> memref<128x64xf32, #tpu.memory_space<vmem>>
    %dma_start3A_56 = arith.constant 0 : i32
    %dma_start3A_57 = tpu.memref_slice %arg5[%dma_start3A_49, %dma_start3A_56] : memref<200x128xi32, #tpu.memory_space<vmem>> -> memref<1x128xi32, #tpu.memory_space<vmem>>
    %dma_start3A_58 = tpu.memref_squeeze %dma_start3A_57 : memref<1x128xi32, #tpu.memory_space<vmem>> -> memref<128xi32, #tpu.memory_space<vmem>>
    %dma_start3A_59 = arith.constant 0 : i32
    %dma_start3A_60 = arith.constant 0 : i32
    %dma_start3A_61 = tpu.memref_slice %arg2[%dma_start3A_59, %dma_start3A_60] : memref<1000000x64xf32, #tpu.memory_space<hbm>> -> memref<1000000x64xf32, #tpu.memory_space<hbm>>
    %dma_start3A_62 = tpu.memref_slice %arg7[%dma_start3A_51] : memref<8x!tpu.dma_semaphore, #tpu.memory_space<semaphore_mem>> -> memref<1x!tpu.dma_semaphore, #tpu.memory_space<semaphore_mem>>
    %dma_start3A_63 = tpu.memref_squeeze %dma_start3A_62 : memref<1x!tpu.dma_semaphore, #tpu.memory_space<semaphore_mem>> -> memref<!tpu.dma_semaphore, #tpu.memory_space<semaphore_mem>>
    tpu.enqueue_indirect_dma source(%dma_start3A_61 : memref<1000000x64xf32, #tpu.memory_space<hbm>>) target(%dma_start3A_55 : memref<128x64xf32, #tpu.memory_space<vmem>>) offsets(%dma_start3A_58 : memref<128xi32, #tpu.memory_space<vmem>>) semaphore(%dma_start3A_63 : memref<!tpu.dma_semaphore, #tpu.memory_space<semaphore_mem>>)
    %dma_start3A_64 = arith.constant 4 : i32
    %dma_start3A_65 = arith.constant 4 : i32
    %dma_start3A_66 = arith.constant 4 : i32
    %dma_start3A_67 = arith.constant 0 : i32
    %dma_start3A_68 = arith.constant 0 : i32
    %dma_start3A_69 = tpu.memref_slice %arg6[%dma_start3A_65, %dma_start3A_67, %dma_start3A_68] : memref<8x128x64xf32, #tpu.memory_space<vmem>> -> memref<1x128x64xf32, #tpu.memory_space<vmem>>
    %dma_start3A_70 = tpu.memref_squeeze %dma_start3A_69 : memref<1x128x64xf32, #tpu.memory_space<vmem>> -> memref<128x64xf32, #tpu.memory_space<vmem>>
    %dma_start3A_71 = arith.constant 0 : i32
    %dma_start3A_72 = tpu.memref_slice %arg5[%dma_start3A_64, %dma_start3A_71] : memref<200x128xi32, #tpu.memory_space<vmem>> -> memref<1x128xi32, #tpu.memory_space<vmem>>
    %dma_start3A_73 = tpu.memref_squeeze %dma_start3A_72 : memref<1x128xi32, #tpu.memory_space<vmem>> -> memref<128xi32, #tpu.memory_space<vmem>>
    %dma_start3A_74 = arith.constant 0 : i32
    %dma_start3A_75 = arith.constant 0 : i32
    %dma_start3A_76 = tpu.memref_slice %arg2[%dma_start3A_74, %dma_start3A_75] : memref<1000000x64xf32, #tpu.memory_space<hbm>> -> memref<1000000x64xf32, #tpu.memory_space<hbm>>
    %dma_start3A_77 = tpu.memref_slice %arg7[%dma_start3A_66] : memref<8x!tpu.dma_semaphore, #tpu.memory_space<semaphore_mem>> -> memref<1x!tpu.dma_semaphore, #tpu.memory_space<semaphore_mem>>
    %dma_start3A_78 = tpu.memref_squeeze %dma_start3A_77 : memref<1x!tpu.dma_semaphore, #tpu.memory_space<semaphore_mem>> -> memref<!tpu.dma_semaphore, #tpu.memory_space<semaphore_mem>>
    tpu.enqueue_indirect_dma source(%dma_start3A_76 : memref<1000000x64xf32, #tpu.memory_space<hbm>>) target(%dma_start3A_70 : memref<128x64xf32, #tpu.memory_space<vmem>>) offsets(%dma_start3A_73 : memref<128xi32, #tpu.memory_space<vmem>>) semaphore(%dma_start3A_78 : memref<!tpu.dma_semaphore, #tpu.memory_space<semaphore_mem>>)
    %dma_start3A_79 = arith.constant 5 : i32
    %dma_start3A_80 = arith.constant 5 : i32
    %dma_start3A_81 = arith.constant 5 : i32
    %dma_start3A_82 = arith.constant 0 : i32
    %dma_start3A_83 = arith.constant 0 : i32
    %dma_start3A_84 = tpu.memref_slice %arg6[%dma_start3A_80, %dma_start3A_82, %dma_start3A_83] : memref<8x128x64xf32, #tpu.memory_space<vmem>> -> memref<1x128x64xf32, #tpu.memory_space<vmem>>
    %dma_start3A_85 = tpu.memref_squeeze %dma_start3A_84 : memref<1x128x64xf32, #tpu.memory_space<vmem>> -> memref<128x64xf32, #tpu.memory_space<vmem>>
    %dma_start3A_86 = arith.constant 0 : i32
    %dma_start3A_87 = tpu.memref_slice %arg5[%dma_start3A_79, %dma_start3A_86] : memref<200x128xi32, #tpu.memory_space<vmem>> -> memref<1x128xi32, #tpu.memory_space<vmem>>
    %dma_start3A_88 = tpu.memref_squeeze %dma_start3A_87 : memref<1x128xi32, #tpu.memory_space<vmem>> -> memref<128xi32, #tpu.memory_space<vmem>>
    %dma_start3A_89 = arith.constant 0 : i32
    %dma_start3A_90 = arith.constant 0 : i32
    %dma_start3A_91 = tpu.memref_slice %arg2[%dma_start3A_89, %dma_start3A_90] : memref<1000000x64xf32, #tpu.memory_space<hbm>> -> memref<1000000x64xf32, #tpu.memory_space<hbm>>
    %dma_start3A_92 = tpu.memref_slice %arg7[%dma_start3A_81] : memref<8x!tpu.dma_semaphore, #tpu.memory_space<semaphore_mem>> -> memref<1x!tpu.dma_semaphore, #tpu.memory_space<semaphore_mem>>
    %dma_start3A_93 = tpu.memref_squeeze %dma_start3A_92 : memref<1x!tpu.dma_semaphore, #tpu.memory_space<semaphore_mem>> -> memref<!tpu.dma_semaphore, #tpu.memory_space<semaphore_mem>>
    tpu.enqueue_indirect_dma source(%dma_start3A_91 : memref<1000000x64xf32, #tpu.memory_space<hbm>>) target(%dma_start3A_85 : memref<128x64xf32, #tpu.memory_space<vmem>>) offsets(%dma_start3A_88 : memref<128xi32, #tpu.memory_space<vmem>>) semaphore(%dma_start3A_93 : memref<!tpu.dma_semaphore, #tpu.memory_space<semaphore_mem>>)
    %dma_start3A_94 = arith.constant 6 : i32
    %dma_start3A_95 = arith.constant 6 : i32
    %dma_start3A_96 = arith.constant 6 : i32
    %dma_start3A_97 = arith.constant 0 : i32
    %dma_start3A_98 = arith.constant 0 : i32
    %dma_start3A_99 = tpu.memref_slice %arg6[%dma_start3A_95, %dma_start3A_97, %dma_start3A_98] : memref<8x128x64xf32, #tpu.memory_space<vmem>> -> memref<1x128x64xf32, #tpu.memory_space<vmem>>
    %dma_start3A_100 = tpu.memref_squeeze %dma_start3A_99 : memref<1x128x64xf32, #tpu.memory_space<vmem>> -> memref<128x64xf32, #tpu.memory_space<vmem>>
    %dma_start3A_101 = arith.constant 0 : i32
    %dma_start3A_102 = tpu.memref_slice %arg5[%dma_start3A_94, %dma_start3A_101] : memref<200x128xi32, #tpu.memory_space<vmem>> -> memref<1x128xi32, #tpu.memory_space<vmem>>
    %dma_start3A_103 = tpu.memref_squeeze %dma_start3A_102 : memref<1x128xi32, #tpu.memory_space<vmem>> -> memref<128xi32, #tpu.memory_space<vmem>>
    %dma_start3A_104 = arith.constant 0 : i32
    %dma_start3A_105 = arith.constant 0 : i32
    %dma_start3A_106 = tpu.memref_slice %arg2[%dma_start3A_104, %dma_start3A_105] : memref<1000000x64xf32, #tpu.memory_space<hbm>> -> memref<1000000x64xf32, #tpu.memory_space<hbm>>
    %dma_start3A_107 = tpu.memref_slice %arg7[%dma_start3A_96] : memref<8x!tpu.dma_semaphore, #tpu.memory_space<semaphore_mem>> -> memref<1x!tpu.dma_semaphore, #tpu.memory_space<semaphore_mem>>
    %dma_start3A_108 = tpu.memref_squeeze %dma_start3A_107 : memref<1x!tpu.dma_semaphore, #tpu.memory_space<semaphore_mem>> -> memref<!tpu.dma_semaphore, #tpu.memory_space<semaphore_mem>>
    tpu.enqueue_indirect_dma source(%dma_start3A_106 : memref<1000000x64xf32, #tpu.memory_space<hbm>>) target(%dma_start3A_100 : memref<128x64xf32, #tpu.memory_space<vmem>>) offsets(%dma_start3A_103 : memref<128xi32, #tpu.memory_space<vmem>>) semaphore(%dma_start3A_108 : memref<!tpu.dma_semaphore, #tpu.memory_space<semaphore_mem>>)
    %dma_start3A_109 = arith.constant 7 : i32
    %dma_start3A_110 = arith.constant 7 : i32
    %dma_start3A_111 = arith.constant 7 : i32
    %dma_start3A_112 = arith.constant 0 : i32
    %dma_start3A_113 = arith.constant 0 : i32
    %dma_start3A_114 = tpu.memref_slice %arg6[%dma_start3A_110, %dma_start3A_112, %dma_start3A_113] : memref<8x128x64xf32, #tpu.memory_space<vmem>> -> memref<1x128x64xf32, #tpu.memory_space<vmem>>
    %dma_start3A_115 = tpu.memref_squeeze %dma_start3A_114 : memref<1x128x64xf32, #tpu.memory_space<vmem>> -> memref<128x64xf32, #tpu.memory_space<vmem>>
    %dma_start3A_116 = arith.constant 0 : i32
    %dma_start3A_117 = tpu.memref_slice %arg5[%dma_start3A_109, %dma_start3A_116] : memref<200x128xi32, #tpu.memory_space<vmem>> -> memref<1x128xi32, #tpu.memory_space<vmem>>
    %dma_start3A_118 = tpu.memref_squeeze %dma_start3A_117 : memref<1x128xi32, #tpu.memory_space<vmem>> -> memref<128xi32, #tpu.memory_space<vmem>>
    %dma_start3A_119 = arith.constant 0 : i32
    %dma_start3A_120 = arith.constant 0 : i32
    %dma_start3A_121 = tpu.memref_slice %arg2[%dma_start3A_119, %dma_start3A_120] : memref<1000000x64xf32, #tpu.memory_space<hbm>> -> memref<1000000x64xf32, #tpu.memory_space<hbm>>
    %dma_start3A_122 = tpu.memref_slice %arg7[%dma_start3A_111] : memref<8x!tpu.dma_semaphore, #tpu.memory_space<semaphore_mem>> -> memref<1x!tpu.dma_semaphore, #tpu.memory_space<semaphore_mem>>
    %dma_start3A_123 = tpu.memref_squeeze %dma_start3A_122 : memref<1x!tpu.dma_semaphore, #tpu.memory_space<semaphore_mem>> -> memref<!tpu.dma_semaphore, #tpu.memory_space<semaphore_mem>>
    tpu.enqueue_indirect_dma source(%dma_start3A_121 : memref<1000000x64xf32, #tpu.memory_space<hbm>>) target(%dma_start3A_115 : memref<128x64xf32, #tpu.memory_space<vmem>>) offsets(%dma_start3A_118 : memref<128xi32, #tpu.memory_space<vmem>>) semaphore(%dma_start3A_123 : memref<!tpu.dma_semaphore, #tpu.memory_space<semaphore_mem>>)
    %scan3A = arith.constant 0 : i32
    %scan3A_124 = arith.constant 24 : i32
    %scan3A_125 = arith.addi %scan3A, %scan3A_124 : i32
    %scan3A_126 = arith.constant 1 : i32
    scf.for %scan3A_519 = %scan3A to %scan3A_125 step %scan3A_126  : i32 {
      %mul3A_520 = arith.constant 1 : i32
      %mul3A_521 = arith.muli %scan3A_519, %mul3A_520 : i32
      %add3A_522 = arith.constant 0 : i32
      %add3A_523 = arith.addi %add3A_522, %mul3A_521 : i32
      %mul3A_524 = arith.constant 8 : i32
      %mul3A_525 = arith.muli %add3A_523, %mul3A_524 : i32
      %dma_wait3A_526 = arith.constant 0 : i32
      %dma_wait3A_527 = arith.constant 0 : i32
      %dma_wait3A_528 = arith.constant 0 : i32
      %dma_wait3A_529 = arith.constant 0 : i32
      %dma_wait3A_530 = arith.constant 0 : i32
      %dma_wait3A_531 = tpu.memref_slice %arg6[%dma_wait3A_527, %dma_wait3A_529, %dma_wait3A_530] : memref<8x128x64xf32, #tpu.memory_space<vmem>> -> memref<1x128x64xf32, #tpu.memory_space<vmem>>
      %dma_wait3A_532 = tpu.memref_squeeze %dma_wait3A_531 : memref<1x128x64xf32, #tpu.memory_space<vmem>> -> memref<128x64xf32, #tpu.memory_space<vmem>>
      %dma_wait3A_533 = arith.constant 0 : i32
      %dma_wait3A_534 = tpu.memref_slice %arg5[%dma_wait3A_526, %dma_wait3A_533] : memref<200x128xi32, #tpu.memory_space<vmem>> -> memref<1x128xi32, #tpu.memory_space<vmem>>
      %dma_wait3A_535 = tpu.memref_squeeze %dma_wait3A_534 : memref<1x128xi32, #tpu.memory_space<vmem>> -> memref<128xi32, #tpu.memory_space<vmem>>
      %dma_wait3A_536 = arith.constant 0 : i32
      %dma_wait3A_537 = arith.constant 0 : i32
      %dma_wait3A_538 = tpu.memref_slice %arg2[%dma_wait3A_536, %dma_wait3A_537] : memref<1000000x64xf32, #tpu.memory_space<hbm>> -> memref<1000000x64xf32, #tpu.memory_space<hbm>>
      %dma_wait3A_539 = tpu.memref_slice %arg7[%dma_wait3A_528] : memref<8x!tpu.dma_semaphore, #tpu.memory_space<semaphore_mem>> -> memref<1x!tpu.dma_semaphore, #tpu.memory_space<semaphore_mem>>
      %dma_wait3A_540 = tpu.memref_squeeze %dma_wait3A_539 : memref<1x!tpu.dma_semaphore, #tpu.memory_space<semaphore_mem>> -> memref<!tpu.dma_semaphore, #tpu.memory_space<semaphore_mem>>
      tpu.wait_indirect_dma semaphore(%dma_wait3A_540 : memref<!tpu.dma_semaphore, #tpu.memory_space<semaphore_mem>>) src(%dma_wait3A_538 : memref<1000000x64xf32, #tpu.memory_space<hbm>>) dst(%dma_wait3A_532 : memref<128x64xf32, #tpu.memory_space<vmem>>)
      %add3A_541 = arith.constant 0 : i32
      %add3A_542 = arith.addi %mul3A_525, %add3A_541 : i32
      %mul3A_543 = arith.constant 128 : i32
      %mul3A_544 = arith.muli %add3A_542, %mul3A_543 : i32
      %add3A_545 = arith.addi %mul3A_4, %mul3A_544 : i32
      %dma_start3A_546 = arith.constant 0 : i32
      %dma_start3A_547 = arith.constant 0 : i32
      %dma_start3A_548 = arith.constant 0 : i32
      %dma_start3A_549 = arith.constant 0 : i32
      %dma_start3A_550 = tpu.memref_slice %arg6[%dma_start3A_546, %dma_start3A_548, %dma_start3A_549] : memref<8x128x64xf32, #tpu.memory_space<vmem>> -> memref<1x128x64xf32, #tpu.memory_space<vmem>>
      %dma_start3A_551 = tpu.memref_squeeze %dma_start3A_550 : memref<1x128x64xf32, #tpu.memory_space<vmem>> -> memref<128x64xf32, #tpu.memory_space<vmem>>
      %dma_start3A_552 = arith.constant 0 : i32
      %dma_start3A_553 = tpu.memref_slice %arg4[%add3A_545, %dma_start3A_552] : memref<819200x128xf32, #tpu.memory_space<hbm>> -> memref<128x64xf32, #tpu.memory_space<hbm>>
      %dma_start3A_554 = tpu.memref_slice %arg8[%dma_start3A_547] : memref<8x!tpu.dma_semaphore, #tpu.memory_space<semaphore_mem>> -> memref<1x!tpu.dma_semaphore, #tpu.memory_space<semaphore_mem>>
      %dma_start3A_555 = tpu.memref_squeeze %dma_start3A_554 : memref<1x!tpu.dma_semaphore, #tpu.memory_space<semaphore_mem>> -> memref<!tpu.dma_semaphore, #tpu.memory_space<semaphore_mem>>
      %dma_start3A_556 = arith.constant 0 : i32
      %dma_start3A_557 = tpu.memref_slice %arg4[%add3A_545, %dma_start3A_556] : memref<819200x128xf32, #tpu.memory_space<hbm>> -> memref<128x64xf32, #tpu.memory_space<hbm>>
      %dma_start3A_558 = arith.constant 0 : i32
      %dma_start3A_559 = arith.constant 0 : i32
      %dma_start3A_560 = tpu.memref_slice %arg6[%dma_start3A_546, %dma_start3A_558, %dma_start3A_559] : memref<8x128x64xf32, #tpu.memory_space<vmem>> -> memref<1x128x64xf32, #tpu.memory_space<vmem>>
      %dma_start3A_561 = tpu.memref_squeeze %dma_start3A_560 : memref<1x128x64xf32, #tpu.memory_space<vmem>> -> memref<128x64xf32, #tpu.memory_space<vmem>>
      tpu.enqueue_dma source(%dma_start3A_561 : memref<128x64xf32, #tpu.memory_space<vmem>>) target(%dma_start3A_557 : memref<128x64xf32, #tpu.memory_space<hbm>>) target_semaphore(%dma_start3A_555 : memref<!tpu.dma_semaphore, #tpu.memory_space<semaphore_mem>>)
      %dma_wait3A_562 = arith.constant 0 : i32
      %dma_wait3A_563 = arith.constant 1 : i32
      %dma_wait3A_564 = arith.constant 1 : i32
      %dma_wait3A_565 = arith.constant 0 : i32
      %dma_wait3A_566 = arith.constant 0 : i32
      %dma_wait3A_567 = tpu.memref_slice %arg6[%dma_wait3A_563, %dma_wait3A_565, %dma_wait3A_566] : memref<8x128x64xf32, #tpu.memory_space<vmem>> -> memref<1x128x64xf32, #tpu.memory_space<vmem>>
      %dma_wait3A_568 = tpu.memref_squeeze %dma_wait3A_567 : memref<1x128x64xf32, #tpu.memory_space<vmem>> -> memref<128x64xf32, #tpu.memory_space<vmem>>
      %dma_wait3A_569 = arith.constant 0 : i32
      %dma_wait3A_570 = tpu.memref_slice %arg5[%dma_wait3A_562, %dma_wait3A_569] : memref<200x128xi32, #tpu.memory_space<vmem>> -> memref<1x128xi32, #tpu.memory_space<vmem>>
      %dma_wait3A_571 = tpu.memref_squeeze %dma_wait3A_570 : memref<1x128xi32, #tpu.memory_space<vmem>> -> memref<128xi32, #tpu.memory_space<vmem>>
      %dma_wait3A_572 = arith.constant 0 : i32
      %dma_wait3A_573 = arith.constant 0 : i32
      %dma_wait3A_574 = tpu.memref_slice %arg2[%dma_wait3A_572, %dma_wait3A_573] : memref<1000000x64xf32, #tpu.memory_space<hbm>> -> memref<1000000x64xf32, #tpu.memory_space<hbm>>
      %dma_wait3A_575 = tpu.memref_slice %arg7[%dma_wait3A_564] : memref<8x!tpu.dma_semaphore, #tpu.memory_space<semaphore_mem>> -> memref<1x!tpu.dma_semaphore, #tpu.memory_space<semaphore_mem>>
      %dma_wait3A_576 = tpu.memref_squeeze %dma_wait3A_575 : memref<1x!tpu.dma_semaphore, #tpu.memory_space<semaphore_mem>> -> memref<!tpu.dma_semaphore, #tpu.memory_space<semaphore_mem>>
      tpu.wait_indirect_dma semaphore(%dma_wait3A_576 : memref<!tpu.dma_semaphore, #tpu.memory_space<semaphore_mem>>) src(%dma_wait3A_574 : memref<1000000x64xf32, #tpu.memory_space<hbm>>) dst(%dma_wait3A_568 : memref<128x64xf32, #tpu.memory_space<vmem>>)
      %add3A_577 = arith.constant 1 : i32
      %add3A_578 = arith.addi %mul3A_525, %add3A_577 : i32
      %mul3A_579 = arith.constant 128 : i32
      %mul3A_580 = arith.muli %add3A_578, %mul3A_579 : i32
      %add3A_581 = arith.addi %mul3A_4, %mul3A_580 : i32
      %dma_start3A_582 = arith.constant 1 : i32
      %dma_start3A_583 = arith.constant 1 : i32
      %dma_start3A_584 = arith.constant 0 : i32
      %dma_start3A_585 = arith.constant 0 : i32
      %dma_start3A_586 = tpu.memref_slice %arg6[%dma_start3A_582, %dma_start3A_584, %dma_start3A_585] : memref<8x128x64xf32, #tpu.memory_space<vmem>> -> memref<1x128x64xf32, #tpu.memory_space<vmem>>
      %dma_start3A_587 = tpu.memref_squeeze %dma_start3A_586 : memref<1x128x64xf32, #tpu.memory_space<vmem>> -> memref<128x64xf32, #tpu.memory_space<vmem>>
      %dma_start3A_588 = arith.constant 0 : i32
      %dma_start3A_589 = tpu.memref_slice %arg4[%add3A_581, %dma_start3A_588] : memref<819200x128xf32, #tpu.memory_space<hbm>> -> memref<128x64xf32, #tpu.memory_space<hbm>>
      %dma_start3A_590 = tpu.memref_slice %arg8[%dma_start3A_583] : memref<8x!tpu.dma_semaphore, #tpu.memory_space<semaphore_mem>> -> memref<1x!tpu.dma_semaphore, #tpu.memory_space<semaphore_mem>>
      %dma_start3A_591 = tpu.memref_squeeze %dma_start3A_590 : memref<1x!tpu.dma_semaphore, #tpu.memory_space<semaphore_mem>> -> memref<!tpu.dma_semaphore, #tpu.memory_space<semaphore_mem>>
      %dma_start3A_592 = arith.constant 0 : i32
      %dma_start3A_593 = tpu.memref_slice %arg4[%add3A_581, %dma_start3A_592] : memref<819200x128xf32, #tpu.memory_space<hbm>> -> memref<128x64xf32, #tpu.memory_space<hbm>>
      %dma_start3A_594 = arith.constant 0 : i32
      %dma_start3A_595 = arith.constant 0 : i32
      %dma_start3A_596 = tpu.memref_slice %arg6[%dma_start3A_582, %dma_start3A_594, %dma_start3A_595] : memref<8x128x64xf32, #tpu.memory_space<vmem>> -> memref<1x128x64xf32, #tpu.memory_space<vmem>>
      %dma_start3A_597 = tpu.memref_squeeze %dma_start3A_596 : memref<1x128x64xf32, #tpu.memory_space<vmem>> -> memref<128x64xf32, #tpu.memory_space<vmem>>
      tpu.enqueue_dma source(%dma_start3A_597 : memref<128x64xf32, #tpu.memory_space<vmem>>) target(%dma_start3A_593 : memref<128x64xf32, #tpu.memory_space<hbm>>) target_semaphore(%dma_start3A_591 : memref<!tpu.dma_semaphore, #tpu.memory_space<semaphore_mem>>)
      %dma_wait3A_598 = arith.constant 0 : i32
      %dma_wait3A_599 = arith.constant 2 : i32
      %dma_wait3A_600 = arith.constant 2 : i32
      %dma_wait3A_601 = arith.constant 0 : i32
      %dma_wait3A_602 = arith.constant 0 : i32
      %dma_wait3A_603 = tpu.memref_slice %arg6[%dma_wait3A_599, %dma_wait3A_601, %dma_wait3A_602] : memref<8x128x64xf32, #tpu.memory_space<vmem>> -> memref<1x128x64xf32, #tpu.memory_space<vmem>>
      %dma_wait3A_604 = tpu.memref_squeeze %dma_wait3A_603 : memref<1x128x64xf32, #tpu.memory_space<vmem>> -> memref<128x64xf32, #tpu.memory_space<vmem>>
      %dma_wait3A_605 = arith.constant 0 : i32
      %dma_wait3A_606 = tpu.memref_slice %arg5[%dma_wait3A_598, %dma_wait3A_605] : memref<200x128xi32, #tpu.memory_space<vmem>> -> memref<1x128xi32, #tpu.memory_space<vmem>>
      %dma_wait3A_607 = tpu.memref_squeeze %dma_wait3A_606 : memref<1x128xi32, #tpu.memory_space<vmem>> -> memref<128xi32, #tpu.memory_space<vmem>>
      %dma_wait3A_608 = arith.constant 0 : i32
      %dma_wait3A_609 = arith.constant 0 : i32
      %dma_wait3A_610 = tpu.memref_slice %arg2[%dma_wait3A_608, %dma_wait3A_609] : memref<1000000x64xf32, #tpu.memory_space<hbm>> -> memref<1000000x64xf32, #tpu.memory_space<hbm>>
      %dma_wait3A_611 = tpu.memref_slice %arg7[%dma_wait3A_600] : memref<8x!tpu.dma_semaphore, #tpu.memory_space<semaphore_mem>> -> memref<1x!tpu.dma_semaphore, #tpu.memory_space<semaphore_mem>>
      %dma_wait3A_612 = tpu.memref_squeeze %dma_wait3A_611 : memref<1x!tpu.dma_semaphore, #tpu.memory_space<semaphore_mem>> -> memref<!tpu.dma_semaphore, #tpu.memory_space<semaphore_mem>>
      tpu.wait_indirect_dma semaphore(%dma_wait3A_612 : memref<!tpu.dma_semaphore, #tpu.memory_space<semaphore_mem>>) src(%dma_wait3A_610 : memref<1000000x64xf32, #tpu.memory_space<hbm>>) dst(%dma_wait3A_604 : memref<128x64xf32, #tpu.memory_space<vmem>>)
      %add3A_613 = arith.constant 2 : i32
      %add3A_614 = arith.addi %mul3A_525, %add3A_613 : i32
      %mul3A_615 = arith.constant 128 : i32
      %mul3A_616 = arith.muli %add3A_614, %mul3A_615 : i32
      %add3A_617 = arith.addi %mul3A_4, %mul3A_616 : i32
      %dma_start3A_618 = arith.constant 2 : i32
      %dma_start3A_619 = arith.constant 2 : i32
      %dma_start3A_620 = arith.constant 0 : i32
      %dma_start3A_621 = arith.constant 0 : i32
      %dma_start3A_622 = tpu.memref_slice %arg6[%dma_start3A_618, %dma_start3A_620, %dma_start3A_621] : memref<8x128x64xf32, #tpu.memory_space<vmem>> -> memref<1x128x64xf32, #tpu.memory_space<vmem>>
      %dma_start3A_623 = tpu.memref_squeeze %dma_start3A_622 : memref<1x128x64xf32, #tpu.memory_space<vmem>> -> memref<128x64xf32, #tpu.memory_space<vmem>>
      %dma_start3A_624 = arith.constant 0 : i32
      %dma_start3A_625 = tpu.memref_slice %arg4[%add3A_617, %dma_start3A_624] : memref<819200x128xf32, #tpu.memory_space<hbm>> -> memref<128x64xf32, #tpu.memory_space<hbm>>
      %dma_start3A_626 = tpu.memref_slice %arg8[%dma_start3A_619] : memref<8x!tpu.dma_semaphore, #tpu.memory_space<semaphore_mem>> -> memref<1x!tpu.dma_semaphore, #tpu.memory_space<semaphore_mem>>
      %dma_start3A_627 = tpu.memref_squeeze %dma_start3A_626 : memref<1x!tpu.dma_semaphore, #tpu.memory_space<semaphore_mem>> -> memref<!tpu.dma_semaphore, #tpu.memory_space<semaphore_mem>>
      %dma_start3A_628 = arith.constant 0 : i32
      %dma_start3A_629 = tpu.memref_slice %arg4[%add3A_617, %dma_start3A_628] : memref<819200x128xf32, #tpu.memory_space<hbm>> -> memref<128x64xf32, #tpu.memory_space<hbm>>
      %dma_start3A_630 = arith.constant 0 : i32
      %dma_start3A_631 = arith.constant 0 : i32
      %dma_start3A_632 = tpu.memref_slice %arg6[%dma_start3A_618, %dma_start3A_630, %dma_start3A_631] : memref<8x128x64xf32, #tpu.memory_space<vmem>> -> memref<1x128x64xf32, #tpu.memory_space<vmem>>
      %dma_start3A_633 = tpu.memref_squeeze %dma_start3A_632 : memref<1x128x64xf32, #tpu.memory_space<vmem>> -> memref<128x64xf32, #tpu.memory_space<vmem>>
      tpu.enqueue_dma source(%dma_start3A_633 : memref<128x64xf32, #tpu.memory_space<vmem>>) target(%dma_start3A_629 : memref<128x64xf32, #tpu.memory_space<hbm>>) target_semaphore(%dma_start3A_627 : memref<!tpu.dma_semaphore, #tpu.memory_space<semaphore_mem>>)
      %dma_wait3A_634 = arith.constant 0 : i32
      %dma_wait3A_635 = arith.constant 3 : i32
      %dma_wait3A_636 = arith.constant 3 : i32
      %dma_wait3A_637 = arith.constant 0 : i32
      %dma_wait3A_638 = arith.constant 0 : i32
      %dma_wait3A_639 = tpu.memref_slice %arg6[%dma_wait3A_635, %dma_wait3A_637, %dma_wait3A_638] : memref<8x128x64xf32, #tpu.memory_space<vmem>> -> memref<1x128x64xf32, #tpu.memory_space<vmem>>
      %dma_wait3A_640 = tpu.memref_squeeze %dma_wait3A_639 : memref<1x128x64xf32, #tpu.memory_space<vmem>> -> memref<128x64xf32, #tpu.memory_space<vmem>>
      %dma_wait3A_641 = arith.constant 0 : i32
      %dma_wait3A_642 = tpu.memref_slice %arg5[%dma_wait3A_634, %dma_wait3A_641] : memref<200x128xi32, #tpu.memory_space<vmem>> -> memref<1x128xi32, #tpu.memory_space<vmem>>
      %dma_wait3A_643 = tpu.memref_squeeze %dma_wait3A_642 : memref<1x128xi32, #tpu.memory_space<vmem>> -> memref<128xi32, #tpu.memory_space<vmem>>
      %dma_wait3A_644 = arith.constant 0 : i32
      %dma_wait3A_645 = arith.constant 0 : i32
      %dma_wait3A_646 = tpu.memref_slice %arg2[%dma_wait3A_644, %dma_wait3A_645] : memref<1000000x64xf32, #tpu.memory_space<hbm>> -> memref<1000000x64xf32, #tpu.memory_space<hbm>>
      %dma_wait3A_647 = tpu.memref_slice %arg7[%dma_wait3A_636] : memref<8x!tpu.dma_semaphore, #tpu.memory_space<semaphore_mem>> -> memref<1x!tpu.dma_semaphore, #tpu.memory_space<semaphore_mem>>
      %dma_wait3A_648 = tpu.memref_squeeze %dma_wait3A_647 : memref<1x!tpu.dma_semaphore, #tpu.memory_space<semaphore_mem>> -> memref<!tpu.dma_semaphore, #tpu.memory_space<semaphore_mem>>
      tpu.wait_indirect_dma semaphore(%dma_wait3A_648 : memref<!tpu.dma_semaphore, #tpu.memory_space<semaphore_mem>>) src(%dma_wait3A_646 : memref<1000000x64xf32, #tpu.memory_space<hbm>>) dst(%dma_wait3A_640 : memref<128x64xf32, #tpu.memory_space<vmem>>)
      %add3A_649 = arith.constant 3 : i32
      %add3A_650 = arith.addi %mul3A_525, %add3A_649 : i32
      %mul3A_651 = arith.constant 128 : i32
      %mul3A_652 = arith.muli %add3A_650, %mul3A_651 : i32
      %add3A_653 = arith.addi %mul3A_4, %mul3A_652 : i32
      %dma_start3A_654 = arith.constant 3 : i32
      %dma_start3A_655 = arith.constant 3 : i32
      %dma_start3A_656 = arith.constant 0 : i32
      %dma_start3A_657 = arith.constant 0 : i32
      %dma_start3A_658 = tpu.memref_slice %arg6[%dma_start3A_654, %dma_start3A_656, %dma_start3A_657] : memref<8x128x64xf32, #tpu.memory_space<vmem>> -> memref<1x128x64xf32, #tpu.memory_space<vmem>>
      %dma_start3A_659 = tpu.memref_squeeze %dma_start3A_658 : memref<1x128x64xf32, #tpu.memory_space<vmem>> -> memref<128x64xf32, #tpu.memory_space<vmem>>
      %dma_start3A_660 = arith.constant 0 : i32
      %dma_start3A_661 = tpu.memref_slice %arg4[%add3A_653, %dma_start3A_660] : memref<819200x128xf32, #tpu.memory_space<hbm>> -> memref<128x64xf32, #tpu.memory_space<hbm>>
      %dma_start3A_662 = tpu.memref_slice %arg8[%dma_start3A_655] : memref<8x!tpu.dma_semaphore, #tpu.memory_space<semaphore_mem>> -> memref<1x!tpu.dma_semaphore, #tpu.memory_space<semaphore_mem>>
      %dma_start3A_663 = tpu.memref_squeeze %dma_start3A_662 : memref<1x!tpu.dma_semaphore, #tpu.memory_space<semaphore_mem>> -> memref<!tpu.dma_semaphore, #tpu.memory_space<semaphore_mem>>
      %dma_start3A_664 = arith.constant 0 : i32
      %dma_start3A_665 = tpu.memref_slice %arg4[%add3A_653, %dma_start3A_664] : memref<819200x128xf32, #tpu.memory_space<hbm>> -> memref<128x64xf32, #tpu.memory_space<hbm>>
      %dma_start3A_666 = arith.constant 0 : i32
      %dma_start3A_667 = arith.constant 0 : i32
      %dma_start3A_668 = tpu.memref_slice %arg6[%dma_start3A_654, %dma_start3A_666, %dma_start3A_667] : memref<8x128x64xf32, #tpu.memory_space<vmem>> -> memref<1x128x64xf32, #tpu.memory_space<vmem>>
      %dma_start3A_669 = tpu.memref_squeeze %dma_start3A_668 : memref<1x128x64xf32, #tpu.memory_space<vmem>> -> memref<128x64xf32, #tpu.memory_space<vmem>>
      tpu.enqueue_dma source(%dma_start3A_669 : memref<128x64xf32, #tpu.memory_space<vmem>>) target(%dma_start3A_665 : memref<128x64xf32, #tpu.memory_space<hbm>>) target_semaphore(%dma_start3A_663 : memref<!tpu.dma_semaphore, #tpu.memory_space<semaphore_mem>>)
      %dma_wait3A_670 = arith.constant 0 : i32
      %dma_wait3A_671 = arith.constant 4 : i32
      %dma_wait3A_672 = arith.constant 4 : i32
      %dma_wait3A_673 = arith.constant 0 : i32
      %dma_wait3A_674 = arith.constant 0 : i32
      %dma_wait3A_675 = tpu.memref_slice %arg6[%dma_wait3A_671, %dma_wait3A_673, %dma_wait3A_674] : memref<8x128x64xf32, #tpu.memory_space<vmem>> -> memref<1x128x64xf32, #tpu.memory_space<vmem>>
      %dma_wait3A_676 = tpu.memref_squeeze %dma_wait3A_675 : memref<1x128x64xf32, #tpu.memory_space<vmem>> -> memref<128x64xf32, #tpu.memory_space<vmem>>
      %dma_wait3A_677 = arith.constant 0 : i32
      %dma_wait3A_678 = tpu.memref_slice %arg5[%dma_wait3A_670, %dma_wait3A_677] : memref<200x128xi32, #tpu.memory_space<vmem>> -> memref<1x128xi32, #tpu.memory_space<vmem>>
      %dma_wait3A_679 = tpu.memref_squeeze %dma_wait3A_678 : memref<1x128xi32, #tpu.memory_space<vmem>> -> memref<128xi32, #tpu.memory_space<vmem>>
      %dma_wait3A_680 = arith.constant 0 : i32
      %dma_wait3A_681 = arith.constant 0 : i32
      %dma_wait3A_682 = tpu.memref_slice %arg2[%dma_wait3A_680, %dma_wait3A_681] : memref<1000000x64xf32, #tpu.memory_space<hbm>> -> memref<1000000x64xf32, #tpu.memory_space<hbm>>
      %dma_wait3A_683 = tpu.memref_slice %arg7[%dma_wait3A_672] : memref<8x!tpu.dma_semaphore, #tpu.memory_space<semaphore_mem>> -> memref<1x!tpu.dma_semaphore, #tpu.memory_space<semaphore_mem>>
      %dma_wait3A_684 = tpu.memref_squeeze %dma_wait3A_683 : memref<1x!tpu.dma_semaphore, #tpu.memory_space<semaphore_mem>> -> memref<!tpu.dma_semaphore, #tpu.memory_space<semaphore_mem>>
      tpu.wait_indirect_dma semaphore(%dma_wait3A_684 : memref<!tpu.dma_semaphore, #tpu.memory_space<semaphore_mem>>) src(%dma_wait3A_682 : memref<1000000x64xf32, #tpu.memory_space<hbm>>) dst(%dma_wait3A_676 : memref<128x64xf32, #tpu.memory_space<vmem>>)
      %add3A_685 = arith.constant 4 : i32
      %add3A_686 = arith.addi %mul3A_525, %add3A_685 : i32
      %mul3A_687 = arith.constant 128 : i32
      %mul3A_688 = arith.muli %add3A_686, %mul3A_687 : i32
      %add3A_689 = arith.addi %mul3A_4, %mul3A_688 : i32
      %dma_start3A_690 = arith.constant 4 : i32
      %dma_start3A_691 = arith.constant 4 : i32
      %dma_start3A_692 = arith.constant 0 : i32
      %dma_start3A_693 = arith.constant 0 : i32
      %dma_start3A_694 = tpu.memref_slice %arg6[%dma_start3A_690, %dma_start3A_692, %dma_start3A_693] : memref<8x128x64xf32, #tpu.memory_space<vmem>> -> memref<1x128x64xf32, #tpu.memory_space<vmem>>
      %dma_start3A_695 = tpu.memref_squeeze %dma_start3A_694 : memref<1x128x64xf32, #tpu.memory_space<vmem>> -> memref<128x64xf32, #tpu.memory_space<vmem>>
      %dma_start3A_696 = arith.constant 0 : i32
      %dma_start3A_697 = tpu.memref_slice %arg4[%add3A_689, %dma_start3A_696] : memref<819200x128xf32, #tpu.memory_space<hbm>> -> memref<128x64xf32, #tpu.memory_space<hbm>>
      %dma_start3A_698 = tpu.memref_slice %arg8[%dma_start3A_691] : memref<8x!tpu.dma_semaphore, #tpu.memory_space<semaphore_mem>> -> memref<1x!tpu.dma_semaphore, #tpu.memory_space<semaphore_mem>>
      %dma_start3A_699 = tpu.memref_squeeze %dma_start3A_698 : memref<1x!tpu.dma_semaphore, #tpu.memory_space<semaphore_mem>> -> memref<!tpu.dma_semaphore, #tpu.memory_space<semaphore_mem>>
      %dma_start3A_700 = arith.constant 0 : i32
      %dma_start3A_701 = tpu.memref_slice %arg4[%add3A_689, %dma_start3A_700] : memref<819200x128xf32, #tpu.memory_space<hbm>> -> memref<128x64xf32, #tpu.memory_space<hbm>>
      %dma_start3A_702 = arith.constant 0 : i32
      %dma_start3A_703 = arith.constant 0 : i32
      %dma_start3A_704 = tpu.memref_slice %arg6[%dma_start3A_690, %dma_start3A_702, %dma_start3A_703] : memref<8x128x64xf32, #tpu.memory_space<vmem>> -> memref<1x128x64xf32, #tpu.memory_space<vmem>>
      %dma_start3A_705 = tpu.memref_squeeze %dma_start3A_704 : memref<1x128x64xf32, #tpu.memory_space<vmem>> -> memref<128x64xf32, #tpu.memory_space<vmem>>
      tpu.enqueue_dma source(%dma_start3A_705 : memref<128x64xf32, #tpu.memory_space<vmem>>) target(%dma_start3A_701 : memref<128x64xf32, #tpu.memory_space<hbm>>) target_semaphore(%dma_start3A_699 : memref<!tpu.dma_semaphore, #tpu.memory_space<semaphore_mem>>)
      %dma_wait3A_706 = arith.constant 0 : i32
      %dma_wait3A_707 = arith.constant 5 : i32
      %dma_wait3A_708 = arith.constant 5 : i32
      %dma_wait3A_709 = arith.constant 0 : i32
      %dma_wait3A_710 = arith.constant 0 : i32
      %dma_wait3A_711 = tpu.memref_slice %arg6[%dma_wait3A_707, %dma_wait3A_709, %dma_wait3A_710] : memref<8x128x64xf32, #tpu.memory_space<vmem>> -> memref<1x128x64xf32, #tpu.memory_space<vmem>>
      %dma_wait3A_712 = tpu.memref_squeeze %dma_wait3A_711 : memref<1x128x64xf32, #tpu.memory_space<vmem>> -> memref<128x64xf32, #tpu.memory_space<vmem>>
      %dma_wait3A_713 = arith.constant 0 : i32
      %dma_wait3A_714 = tpu.memref_slice %arg5[%dma_wait3A_706, %dma_wait3A_713] : memref<200x128xi32, #tpu.memory_space<vmem>> -> memref<1x128xi32, #tpu.memory_space<vmem>>
      %dma_wait3A_715 = tpu.memref_squeeze %dma_wait3A_714 : memref<1x128xi32, #tpu.memory_space<vmem>> -> memref<128xi32, #tpu.memory_space<vmem>>
      %dma_wait3A_716 = arith.constant 0 : i32
      %dma_wait3A_717 = arith.constant 0 : i32
      %dma_wait3A_718 = tpu.memref_slice %arg2[%dma_wait3A_716, %dma_wait3A_717] : memref<1000000x64xf32, #tpu.memory_space<hbm>> -> memref<1000000x64xf32, #tpu.memory_space<hbm>>
      %dma_wait3A_719 = tpu.memref_slice %arg7[%dma_wait3A_708] : memref<8x!tpu.dma_semaphore, #tpu.memory_space<semaphore_mem>> -> memref<1x!tpu.dma_semaphore, #tpu.memory_space<semaphore_mem>>
      %dma_wait3A_720 = tpu.memref_squeeze %dma_wait3A_719 : memref<1x!tpu.dma_semaphore, #tpu.memory_space<semaphore_mem>> -> memref<!tpu.dma_semaphore, #tpu.memory_space<semaphore_mem>>
      tpu.wait_indirect_dma semaphore(%dma_wait3A_720 : memref<!tpu.dma_semaphore, #tpu.memory_space<semaphore_mem>>) src(%dma_wait3A_718 : memref<1000000x64xf32, #tpu.memory_space<hbm>>) dst(%dma_wait3A_712 : memref<128x64xf32, #tpu.memory_space<vmem>>)
      %add3A_721 = arith.constant 5 : i32
      %add3A_722 = arith.addi %mul3A_525, %add3A_721 : i32
      %mul3A_723 = arith.constant 128 : i32
      %mul3A_724 = arith.muli %add3A_722, %mul3A_723 : i32
      %add3A_725 = arith.addi %mul3A_4, %mul3A_724 : i32
      %dma_start3A_726 = arith.constant 5 : i32
      %dma_start3A_727 = arith.constant 5 : i32
      %dma_start3A_728 = arith.constant 0 : i32
      %dma_start3A_729 = arith.constant 0 : i32
      %dma_start3A_730 = tpu.memref_slice %arg6[%dma_start3A_726, %dma_start3A_728, %dma_start3A_729] : memref<8x128x64xf32, #tpu.memory_space<vmem>> -> memref<1x128x64xf32, #tpu.memory_space<vmem>>
      %dma_start3A_731 = tpu.memref_squeeze %dma_start3A_730 : memref<1x128x64xf32, #tpu.memory_space<vmem>> -> memref<128x64xf32, #tpu.memory_space<vmem>>
      %dma_start3A_732 = arith.constant 0 : i32
      %dma_start3A_733 = tpu.memref_slice %arg4[%add3A_725, %dma_start3A_732] : memref<819200x128xf32, #tpu.memory_space<hbm>> -> memref<128x64xf32, #tpu.memory_space<hbm>>
      %dma_start3A_734 = tpu.memref_slice %arg8[%dma_start3A_727] : memref<8x!tpu.dma_semaphore, #tpu.memory_space<semaphore_mem>> -> memref<1x!tpu.dma_semaphore, #tpu.memory_space<semaphore_mem>>
      %dma_start3A_735 = tpu.memref_squeeze %dma_start3A_734 : memref<1x!tpu.dma_semaphore, #tpu.memory_space<semaphore_mem>> -> memref<!tpu.dma_semaphore, #tpu.memory_space<semaphore_mem>>
      %dma_start3A_736 = arith.constant 0 : i32
      %dma_start3A_737 = tpu.memref_slice %arg4[%add3A_725, %dma_start3A_736] : memref<819200x128xf32, #tpu.memory_space<hbm>> -> memref<128x64xf32, #tpu.memory_space<hbm>>
      %dma_start3A_738 = arith.constant 0 : i32
      %dma_start3A_739 = arith.constant 0 : i32
      %dma_start3A_740 = tpu.memref_slice %arg6[%dma_start3A_726, %dma_start3A_738, %dma_start3A_739] : memref<8x128x64xf32, #tpu.memory_space<vmem>> -> memref<1x128x64xf32, #tpu.memory_space<vmem>>
      %dma_start3A_741 = tpu.memref_squeeze %dma_start3A_740 : memref<1x128x64xf32, #tpu.memory_space<vmem>> -> memref<128x64xf32, #tpu.memory_space<vmem>>
      tpu.enqueue_dma source(%dma_start3A_741 : memref<128x64xf32, #tpu.memory_space<vmem>>) target(%dma_start3A_737 : memref<128x64xf32, #tpu.memory_space<hbm>>) target_semaphore(%dma_start3A_735 : memref<!tpu.dma_semaphore, #tpu.memory_space<semaphore_mem>>)
      %dma_wait3A_742 = arith.constant 0 : i32
      %dma_wait3A_743 = arith.constant 6 : i32
      %dma_wait3A_744 = arith.constant 6 : i32
      %dma_wait3A_745 = arith.constant 0 : i32
      %dma_wait3A_746 = arith.constant 0 : i32
      %dma_wait3A_747 = tpu.memref_slice %arg6[%dma_wait3A_743, %dma_wait3A_745, %dma_wait3A_746] : memref<8x128x64xf32, #tpu.memory_space<vmem>> -> memref<1x128x64xf32, #tpu.memory_space<vmem>>
      %dma_wait3A_748 = tpu.memref_squeeze %dma_wait3A_747 : memref<1x128x64xf32, #tpu.memory_space<vmem>> -> memref<128x64xf32, #tpu.memory_space<vmem>>
      %dma_wait3A_749 = arith.constant 0 : i32
      %dma_wait3A_750 = tpu.memref_slice %arg5[%dma_wait3A_742, %dma_wait3A_749] : memref<200x128xi32, #tpu.memory_space<vmem>> -> memref<1x128xi32, #tpu.memory_space<vmem>>
      %dma_wait3A_751 = tpu.memref_squeeze %dma_wait3A_750 : memref<1x128xi32, #tpu.memory_space<vmem>> -> memref<128xi32, #tpu.memory_space<vmem>>
      %dma_wait3A_752 = arith.constant 0 : i32
      %dma_wait3A_753 = arith.constant 0 : i32
      %dma_wait3A_754 = tpu.memref_slice %arg2[%dma_wait3A_752, %dma_wait3A_753] : memref<1000000x64xf32, #tpu.memory_space<hbm>> -> memref<1000000x64xf32, #tpu.memory_space<hbm>>
      %dma_wait3A_755 = tpu.memref_slice %arg7[%dma_wait3A_744] : memref<8x!tpu.dma_semaphore, #tpu.memory_space<semaphore_mem>> -> memref<1x!tpu.dma_semaphore, #tpu.memory_space<semaphore_mem>>
      %dma_wait3A_756 = tpu.memref_squeeze %dma_wait3A_755 : memref<1x!tpu.dma_semaphore, #tpu.memory_space<semaphore_mem>> -> memref<!tpu.dma_semaphore, #tpu.memory_space<semaphore_mem>>
      tpu.wait_indirect_dma semaphore(%dma_wait3A_756 : memref<!tpu.dma_semaphore, #tpu.memory_space<semaphore_mem>>) src(%dma_wait3A_754 : memref<1000000x64xf32, #tpu.memory_space<hbm>>) dst(%dma_wait3A_748 : memref<128x64xf32, #tpu.memory_space<vmem>>)
      %add3A_757 = arith.constant 6 : i32
      %add3A_758 = arith.addi %mul3A_525, %add3A_757 : i32
      %mul3A_759 = arith.constant 128 : i32
      %mul3A_760 = arith.muli %add3A_758, %mul3A_759 : i32
      %add3A_761 = arith.addi %mul3A_4, %mul3A_760 : i32
      %dma_start3A_762 = arith.constant 6 : i32
      %dma_start3A_763 = arith.constant 6 : i32
      %dma_start3A_764 = arith.constant 0 : i32
      %dma_start3A_765 = arith.constant 0 : i32
      %dma_start3A_766 = tpu.memref_slice %arg6[%dma_start3A_762, %dma_start3A_764, %dma_start3A_765] : memref<8x128x64xf32, #tpu.memory_space<vmem>> -> memref<1x128x64xf32, #tpu.memory_space<vmem>>
      %dma_start3A_767 = tpu.memref_squeeze %dma_start3A_766 : memref<1x128x64xf32, #tpu.memory_space<vmem>> -> memref<128x64xf32, #tpu.memory_space<vmem>>
      %dma_start3A_768 = arith.constant 0 : i32
      %dma_start3A_769 = tpu.memref_slice %arg4[%add3A_761, %dma_start3A_768] : memref<819200x128xf32, #tpu.memory_space<hbm>> -> memref<128x64xf32, #tpu.memory_space<hbm>>
      %dma_start3A_770 = tpu.memref_slice %arg8[%dma_start3A_763] : memref<8x!tpu.dma_semaphore, #tpu.memory_space<semaphore_mem>> -> memref<1x!tpu.dma_semaphore, #tpu.memory_space<semaphore_mem>>
      %dma_start3A_771 = tpu.memref_squeeze %dma_start3A_770 : memref<1x!tpu.dma_semaphore, #tpu.memory_space<semaphore_mem>> -> memref<!tpu.dma_semaphore, #tpu.memory_space<semaphore_mem>>
      %dma_start3A_772 = arith.constant 0 : i32
      %dma_start3A_773 = tpu.memref_slice %arg4[%add3A_761, %dma_start3A_772] : memref<819200x128xf32, #tpu.memory_space<hbm>> -> memref<128x64xf32, #tpu.memory_space<hbm>>
      %dma_start3A_774 = arith.constant 0 : i32
      %dma_start3A_775 = arith.constant 0 : i32
      %dma_start3A_776 = tpu.memref_slice %arg6[%dma_start3A_762, %dma_start3A_774, %dma_start3A_775] : memref<8x128x64xf32, #tpu.memory_space<vmem>> -> memref<1x128x64xf32, #tpu.memory_space<vmem>>
      %dma_start3A_777 = tpu.memref_squeeze %dma_start3A_776 : memref<1x128x64xf32, #tpu.memory_space<vmem>> -> memref<128x64xf32, #tpu.memory_space<vmem>>
      tpu.enqueue_dma source(%dma_start3A_777 : memref<128x64xf32, #tpu.memory_space<vmem>>) target(%dma_start3A_773 : memref<128x64xf32, #tpu.memory_space<hbm>>) target_semaphore(%dma_start3A_771 : memref<!tpu.dma_semaphore, #tpu.memory_space<semaphore_mem>>)
      %dma_wait3A_778 = arith.constant 0 : i32
      %dma_wait3A_779 = arith.constant 7 : i32
      %dma_wait3A_780 = arith.constant 7 : i32
      %dma_wait3A_781 = arith.constant 0 : i32
      %dma_wait3A_782 = arith.constant 0 : i32
      %dma_wait3A_783 = tpu.memref_slice %arg6[%dma_wait3A_779, %dma_wait3A_781, %dma_wait3A_782] : memref<8x128x64xf32, #tpu.memory_space<vmem>> -> memref<1x128x64xf32, #tpu.memory_space<vmem>>
      %dma_wait3A_784 = tpu.memref_squeeze %dma_wait3A_783 : memref<1x128x64xf32, #tpu.memory_space<vmem>> -> memref<128x64xf32, #tpu.memory_space<vmem>>
      %dma_wait3A_785 = arith.constant 0 : i32
      %dma_wait3A_786 = tpu.memref_slice %arg5[%dma_wait3A_778, %dma_wait3A_785] : memref<200x128xi32, #tpu.memory_space<vmem>> -> memref<1x128xi32, #tpu.memory_space<vmem>>
      %dma_wait3A_787 = tpu.memref_squeeze %dma_wait3A_786 : memref<1x128xi32, #tpu.memory_space<vmem>> -> memref<128xi32, #tpu.memory_space<vmem>>
      %dma_wait3A_788 = arith.constant 0 : i32
      %dma_wait3A_789 = arith.constant 0 : i32
      %dma_wait3A_790 = tpu.memref_slice %arg2[%dma_wait3A_788, %dma_wait3A_789] : memref<1000000x64xf32, #tpu.memory_space<hbm>> -> memref<1000000x64xf32, #tpu.memory_space<hbm>>
      %dma_wait3A_791 = tpu.memref_slice %arg7[%dma_wait3A_780] : memref<8x!tpu.dma_semaphore, #tpu.memory_space<semaphore_mem>> -> memref<1x!tpu.dma_semaphore, #tpu.memory_space<semaphore_mem>>
      %dma_wait3A_792 = tpu.memref_squeeze %dma_wait3A_791 : memref<1x!tpu.dma_semaphore, #tpu.memory_space<semaphore_mem>> -> memref<!tpu.dma_semaphore, #tpu.memory_space<semaphore_mem>>
      tpu.wait_indirect_dma semaphore(%dma_wait3A_792 : memref<!tpu.dma_semaphore, #tpu.memory_space<semaphore_mem>>) src(%dma_wait3A_790 : memref<1000000x64xf32, #tpu.memory_space<hbm>>) dst(%dma_wait3A_784 : memref<128x64xf32, #tpu.memory_space<vmem>>)
      %add3A_793 = arith.constant 7 : i32
      %add3A_794 = arith.addi %mul3A_525, %add3A_793 : i32
      %mul3A_795 = arith.constant 128 : i32
      %mul3A_796 = arith.muli %add3A_794, %mul3A_795 : i32
      %add3A_797 = arith.addi %mul3A_4, %mul3A_796 : i32
      %dma_start3A_798 = arith.constant 7 : i32
      %dma_start3A_799 = arith.constant 7 : i32
      %dma_start3A_800 = arith.constant 0 : i32
      %dma_start3A_801 = arith.constant 0 : i32
      %dma_start3A_802 = tpu.memref_slice %arg6[%dma_start3A_798, %dma_start3A_800, %dma_start3A_801] : memref<8x128x64xf32, #tpu.memory_space<vmem>> -> memref<1x128x64xf32, #tpu.memory_space<vmem>>
      %dma_start3A_803 = tpu.memref_squeeze %dma_start3A_802 : memref<1x128x64xf32, #tpu.memory_space<vmem>> -> memref<128x64xf32, #tpu.memory_space<vmem>>
      %dma_start3A_804 = arith.constant 0 : i32
      %dma_start3A_805 = tpu.memref_slice %arg4[%add3A_797, %dma_start3A_804] : memref<819200x128xf32, #tpu.memory_space<hbm>> -> memref<128x64xf32, #tpu.memory_space<hbm>>
      %dma_start3A_806 = tpu.memref_slice %arg8[%dma_start3A_799] : memref<8x!tpu.dma_semaphore, #tpu.memory_space<semaphore_mem>> -> memref<1x!tpu.dma_semaphore, #tpu.memory_space<semaphore_mem>>
      %dma_start3A_807 = tpu.memref_squeeze %dma_start3A_806 : memref<1x!tpu.dma_semaphore, #tpu.memory_space<semaphore_mem>> -> memref<!tpu.dma_semaphore, #tpu.memory_space<semaphore_mem>>
      %dma_start3A_808 = arith.constant 0 : i32
      %dma_start3A_809 = tpu.memref_slice %arg4[%add3A_797, %dma_start3A_808] : memref<819200x128xf32, #tpu.memory_space<hbm>> -> memref<128x64xf32, #tpu.memory_space<hbm>>
      %dma_start3A_810 = arith.constant 0 : i32
      %dma_start3A_811 = arith.constant 0 : i32
      %dma_start3A_812 = tpu.memref_slice %arg6[%dma_start3A_798, %dma_start3A_810, %dma_start3A_811] : memref<8x128x64xf32, #tpu.memory_space<vmem>> -> memref<1x128x64xf32, #tpu.memory_space<vmem>>
      %dma_start3A_813 = tpu.memref_squeeze %dma_start3A_812 : memref<1x128x64xf32, #tpu.memory_space<vmem>> -> memref<128x64xf32, #tpu.memory_space<vmem>>
      tpu.enqueue_dma source(%dma_start3A_813 : memref<128x64xf32, #tpu.memory_space<vmem>>) target(%dma_start3A_809 : memref<128x64xf32, #tpu.memory_space<hbm>>) target_semaphore(%dma_start3A_807 : memref<!tpu.dma_semaphore, #tpu.memory_space<semaphore_mem>>)
      %dma_wait3A_814 = arith.constant 0 : i32
      %dma_wait3A_815 = arith.constant 0 : i32
      %dma_wait3A_816 = arith.constant 0 : i32
      %dma_wait3A_817 = arith.constant 0 : i32
      %dma_wait3A_818 = tpu.memref_slice %arg6[%dma_wait3A_814, %dma_wait3A_816, %dma_wait3A_817] : memref<8x128x64xf32, #tpu.memory_space<vmem>> -> memref<1x128x64xf32, #tpu.memory_space<vmem>>
      %dma_wait3A_819 = tpu.memref_squeeze %dma_wait3A_818 : memref<1x128x64xf32, #tpu.memory_space<vmem>> -> memref<128x64xf32, #tpu.memory_space<vmem>>
      %dma_wait3A_820 = arith.constant 0 : i32
      %dma_wait3A_821 = tpu.memref_slice %arg4[%mul3A_4, %dma_wait3A_820] : memref<819200x128xf32, #tpu.memory_space<hbm>> -> memref<128x64xf32, #tpu.memory_space<hbm>>
      %dma_wait3A_822 = tpu.memref_slice %arg8[%dma_wait3A_815] : memref<8x!tpu.dma_semaphore, #tpu.memory_space<semaphore_mem>> -> memref<1x!tpu.dma_semaphore, #tpu.memory_space<semaphore_mem>>
      %dma_wait3A_823 = tpu.memref_squeeze %dma_wait3A_822 : memref<1x!tpu.dma_semaphore, #tpu.memory_space<semaphore_mem>> -> memref<!tpu.dma_semaphore, #tpu.memory_space<semaphore_mem>>
      %dma_wait3A_824 = arith.constant 0 : i32
      %dma_wait3A_825 = tpu.memref_slice %arg4[%mul3A_4, %dma_wait3A_824] : memref<819200x128xf32, #tpu.memory_space<hbm>> -> memref<128x64xf32, #tpu.memory_space<hbm>>
      %dma_wait3A_826 = arith.constant 0 : i32
      %dma_wait3A_827 = arith.constant 0 : i32
      %dma_wait3A_828 = tpu.memref_slice %arg6[%dma_wait3A_814, %dma_wait3A_826, %dma_wait3A_827] : memref<8x128x64xf32, #tpu.memory_space<vmem>> -> memref<1x128x64xf32, #tpu.memory_space<vmem>>
      %dma_wait3A_829 = tpu.memref_squeeze %dma_wait3A_828 : memref<1x128x64xf32, #tpu.memory_space<vmem>> -> memref<128x64xf32, #tpu.memory_space<vmem>>
      tpu.wait_dma2 semaphore(%dma_wait3A_823 : memref<!tpu.dma_semaphore, #tpu.memory_space<semaphore_mem>>) src(%dma_wait3A_829 : memref<128x64xf32, #tpu.memory_space<vmem>>) dst(%dma_wait3A_825 : memref<128x64xf32, #tpu.memory_space<hbm>>)
      %add3A_830 = arith.constant 8 : i32
      %add3A_831 = arith.addi %mul3A_525, %add3A_830 : i32
      %add3A_832 = arith.constant 0 : i32
      %add3A_833 = arith.addi %add3A_831, %add3A_832 : i32
      %dma_start3A_834 = arith.constant 0 : i32
      %dma_start3A_835 = arith.constant 0 : i32
      %dma_start3A_836 = arith.constant 0 : i32
      %dma_start3A_837 = arith.constant 0 : i32
      %dma_start3A_838 = tpu.memref_slice %arg6[%dma_start3A_834, %dma_start3A_836, %dma_start3A_837] : memref<8x128x64xf32, #tpu.memory_space<vmem>> -> memref<1x128x64xf32, #tpu.memory_space<vmem>>
      %dma_start3A_839 = tpu.memref_squeeze %dma_start3A_838 : memref<1x128x64xf32, #tpu.memory_space<vmem>> -> memref<128x64xf32, #tpu.memory_space<vmem>>
      %dma_start3A_840 = arith.constant 0 : i32
      %dma_start3A_841 = tpu.memref_slice %arg5[%add3A_833, %dma_start3A_840] : memref<200x128xi32, #tpu.memory_space<vmem>> -> memref<1x128xi32, #tpu.memory_space<vmem>>
      %dma_start3A_842 = tpu.memref_squeeze %dma_start3A_841 : memref<1x128xi32, #tpu.memory_space<vmem>> -> memref<128xi32, #tpu.memory_space<vmem>>
      %dma_start3A_843 = arith.constant 0 : i32
      %dma_start3A_844 = arith.constant 0 : i32
      %dma_start3A_845 = tpu.memref_slice %arg2[%dma_start3A_843, %dma_start3A_844] : memref<1000000x64xf32, #tpu.memory_space<hbm>> -> memref<1000000x64xf32, #tpu.memory_space<hbm>>
      %dma_start3A_846 = tpu.memref_slice %arg7[%dma_start3A_835] : memref<8x!tpu.dma_semaphore, #tpu.memory_space<semaphore_mem>> -> memref<1x!tpu.dma_semaphore, #tpu.memory_space<semaphore_mem>>
      %dma_start3A_847 = tpu.memref_squeeze %dma_start3A_846 : memref<1x!tpu.dma_semaphore, #tpu.memory_space<semaphore_mem>> -> memref<!tpu.dma_semaphore, #tpu.memory_space<semaphore_mem>>
      tpu.enqueue_indirect_dma source(%dma_start3A_845 : memref<1000000x64xf32, #tpu.memory_space<hbm>>) target(%dma_start3A_839 : memref<128x64xf32, #tpu.memory_space<vmem>>) offsets(%dma_start3A_842 : memref<128xi32, #tpu.memory_space<vmem>>) semaphore(%dma_start3A_847 : memref<!tpu.dma_semaphore, #tpu.memory_space<semaphore_mem>>)
      %dma_wait3A_848 = arith.constant 1 : i32
      %dma_wait3A_849 = arith.constant 1 : i32
      %dma_wait3A_850 = arith.constant 0 : i32
      %dma_wait3A_851 = arith.constant 0 : i32
      %dma_wait3A_852 = tpu.memref_slice %arg6[%dma_wait3A_848, %dma_wait3A_850, %dma_wait3A_851] : memref<8x128x64xf32, #tpu.memory_space<vmem>> -> memref<1x128x64xf32, #tpu.memory_space<vmem>>
      %dma_wait3A_853 = tpu.memref_squeeze %dma_wait3A_852 : memref<1x128x64xf32, #tpu.memory_space<vmem>> -> memref<128x64xf32, #tpu.memory_space<vmem>>
      %dma_wait3A_854 = arith.constant 0 : i32
      %dma_wait3A_855 = tpu.memref_slice %arg4[%mul3A_4, %dma_wait3A_854] : memref<819200x128xf32, #tpu.memory_space<hbm>> -> memref<128x64xf32, #tpu.memory_space<hbm>>
      %dma_wait3A_856 = tpu.memref_slice %arg8[%dma_wait3A_849] : memref<8x!tpu.dma_semaphore, #tpu.memory_space<semaphore_mem>> -> memref<1x!tpu.dma_semaphore, #tpu.memory_space<semaphore_mem>>
      %dma_wait3A_857 = tpu.memref_squeeze %dma_wait3A_856 : memref<1x!tpu.dma_semaphore, #tpu.memory_space<semaphore_mem>> -> memref<!tpu.dma_semaphore, #tpu.memory_space<semaphore_mem>>
      %dma_wait3A_858 = arith.constant 0 : i32
      %dma_wait3A_859 = tpu.memref_slice %arg4[%mul3A_4, %dma_wait3A_858] : memref<819200x128xf32, #tpu.memory_space<hbm>> -> memref<128x64xf32, #tpu.memory_space<hbm>>
      %dma_wait3A_860 = arith.constant 0 : i32
      %dma_wait3A_861 = arith.constant 0 : i32
      %dma_wait3A_862 = tpu.memref_slice %arg6[%dma_wait3A_848, %dma_wait3A_860, %dma_wait3A_861] : memref<8x128x64xf32, #tpu.memory_space<vmem>> -> memref<1x128x64xf32, #tpu.memory_space<vmem>>
      %dma_wait3A_863 = tpu.memref_squeeze %dma_wait3A_862 : memref<1x128x64xf32, #tpu.memory_space<vmem>> -> memref<128x64xf32, #tpu.memory_space<vmem>>
      tpu.wait_dma2 semaphore(%dma_wait3A_857 : memref<!tpu.dma_semaphore, #tpu.memory_space<semaphore_mem>>) src(%dma_wait3A_863 : memref<128x64xf32, #tpu.memory_space<vmem>>) dst(%dma_wait3A_859 : memref<128x64xf32, #tpu.memory_space<hbm>>)
      %add3A_864 = arith.constant 8 : i32
      %add3A_865 = arith.addi %mul3A_525, %add3A_864 : i32
      %add3A_866 = arith.constant 1 : i32
      %add3A_867 = arith.addi %add3A_865, %add3A_866 : i32
      %dma_start3A_868 = arith.constant 1 : i32
      %dma_start3A_869 = arith.constant 1 : i32
      %dma_start3A_870 = arith.constant 0 : i32
      %dma_start3A_871 = arith.constant 0 : i32
      %dma_start3A_872 = tpu.memref_slice %arg6[%dma_start3A_868, %dma_start3A_870, %dma_start3A_871] : memref<8x128x64xf32, #tpu.memory_space<vmem>> -> memref<1x128x64xf32, #tpu.memory_space<vmem>>
      %dma_start3A_873 = tpu.memref_squeeze %dma_start3A_872 : memref<1x128x64xf32, #tpu.memory_space<vmem>> -> memref<128x64xf32, #tpu.memory_space<vmem>>
      %dma_start3A_874 = arith.constant 0 : i32
      %dma_start3A_875 = tpu.memref_slice %arg5[%add3A_867, %dma_start3A_874] : memref<200x128xi32, #tpu.memory_space<vmem>> -> memref<1x128xi32, #tpu.memory_space<vmem>>
      %dma_start3A_876 = tpu.memref_squeeze %dma_start3A_875 : memref<1x128xi32, #tpu.memory_space<vmem>> -> memref<128xi32, #tpu.memory_space<vmem>>
      %dma_start3A_877 = arith.constant 0 : i32
      %dma_start3A_878 = arith.constant 0 : i32
      %dma_start3A_879 = tpu.memref_slice %arg2[%dma_start3A_877, %dma_start3A_878] : memref<1000000x64xf32, #tpu.memory_space<hbm>> -> memref<1000000x64xf32, #tpu.memory_space<hbm>>
      %dma_start3A_880 = tpu.memref_slice %arg7[%dma_start3A_869] : memref<8x!tpu.dma_semaphore, #tpu.memory_space<semaphore_mem>> -> memref<1x!tpu.dma_semaphore, #tpu.memory_space<semaphore_mem>>
      %dma_start3A_881 = tpu.memref_squeeze %dma_start3A_880 : memref<1x!tpu.dma_semaphore, #tpu.memory_space<semaphore_mem>> -> memref<!tpu.dma_semaphore, #tpu.memory_space<semaphore_mem>>
      tpu.enqueue_indirect_dma source(%dma_start3A_879 : memref<1000000x64xf32, #tpu.memory_space<hbm>>) target(%dma_start3A_873 : memref<128x64xf32, #tpu.memory_space<vmem>>) offsets(%dma_start3A_876 : memref<128xi32, #tpu.memory_space<vmem>>) semaphore(%dma_start3A_881 : memref<!tpu.dma_semaphore, #tpu.memory_space<semaphore_mem>>)
      %dma_wait3A_882 = arith.constant 2 : i32
      %dma_wait3A_883 = arith.constant 2 : i32
      %dma_wait3A_884 = arith.constant 0 : i32
      %dma_wait3A_885 = arith.constant 0 : i32
      %dma_wait3A_886 = tpu.memref_slice %arg6[%dma_wait3A_882, %dma_wait3A_884, %dma_wait3A_885] : memref<8x128x64xf32, #tpu.memory_space<vmem>> -> memref<1x128x64xf32, #tpu.memory_space<vmem>>
      %dma_wait3A_887 = tpu.memref_squeeze %dma_wait3A_886 : memref<1x128x64xf32, #tpu.memory_space<vmem>> -> memref<128x64xf32, #tpu.memory_space<vmem>>
      %dma_wait3A_888 = arith.constant 0 : i32
      %dma_wait3A_889 = tpu.memref_slice %arg4[%mul3A_4, %dma_wait3A_888] : memref<819200x128xf32, #tpu.memory_space<hbm>> -> memref<128x64xf32, #tpu.memory_space<hbm>>
      %dma_wait3A_890 = tpu.memref_slice %arg8[%dma_wait3A_883] : memref<8x!tpu.dma_semaphore, #tpu.memory_space<semaphore_mem>> -> memref<1x!tpu.dma_semaphore, #tpu.memory_space<semaphore_mem>>
      %dma_wait3A_891 = tpu.memref_squeeze %dma_wait3A_890 : memref<1x!tpu.dma_semaphore, #tpu.memory_space<semaphore_mem>> -> memref<!tpu.dma_semaphore, #tpu.memory_space<semaphore_mem>>
      %dma_wait3A_892 = arith.constant 0 : i32
      %dma_wait3A_893 = tpu.memref_slice %arg4[%mul3A_4, %dma_wait3A_892] : memref<819200x128xf32, #tpu.memory_space<hbm>> -> memref<128x64xf32, #tpu.memory_space<hbm>>
      %dma_wait3A_894 = arith.constant 0 : i32
      %dma_wait3A_895 = arith.constant 0 : i32
      %dma_wait3A_896 = tpu.memref_slice %arg6[%dma_wait3A_882, %dma_wait3A_894, %dma_wait3A_895] : memref<8x128x64xf32, #tpu.memory_space<vmem>> -> memref<1x128x64xf32, #tpu.memory_space<vmem>>
      %dma_wait3A_897 = tpu.memref_squeeze %dma_wait3A_896 : memref<1x128x64xf32, #tpu.memory_space<vmem>> -> memref<128x64xf32, #tpu.memory_space<vmem>>
      tpu.wait_dma2 semaphore(%dma_wait3A_891 : memref<!tpu.dma_semaphore, #tpu.memory_space<semaphore_mem>>) src(%dma_wait3A_897 : memref<128x64xf32, #tpu.memory_space<vmem>>) dst(%dma_wait3A_893 : memref<128x64xf32, #tpu.memory_space<hbm>>)
      %add3A_898 = arith.constant 8 : i32
      %add3A_899 = arith.addi %mul3A_525, %add3A_898 : i32
      %add3A_900 = arith.constant 2 : i32
      %add3A_901 = arith.addi %add3A_899, %add3A_900 : i32
      %dma_start3A_902 = arith.constant 2 : i32
      %dma_start3A_903 = arith.constant 2 : i32
      %dma_start3A_904 = arith.constant 0 : i32
      %dma_start3A_905 = arith.constant 0 : i32
      %dma_start3A_906 = tpu.memref_slice %arg6[%dma_start3A_902, %dma_start3A_904, %dma_start3A_905] : memref<8x128x64xf32, #tpu.memory_space<vmem>> -> memref<1x128x64xf32, #tpu.memory_space<vmem>>
      %dma_start3A_907 = tpu.memref_squeeze %dma_start3A_906 : memref<1x128x64xf32, #tpu.memory_space<vmem>> -> memref<128x64xf32, #tpu.memory_space<vmem>>
      %dma_start3A_908 = arith.constant 0 : i32
      %dma_start3A_909 = tpu.memref_slice %arg5[%add3A_901, %dma_start3A_908] : memref<200x128xi32, #tpu.memory_space<vmem>> -> memref<1x128xi32, #tpu.memory_space<vmem>>
      %dma_start3A_910 = tpu.memref_squeeze %dma_start3A_909 : memref<1x128xi32, #tpu.memory_space<vmem>> -> memref<128xi32, #tpu.memory_space<vmem>>
      %dma_start3A_911 = arith.constant 0 : i32
      %dma_start3A_912 = arith.constant 0 : i32
      %dma_start3A_913 = tpu.memref_slice %arg2[%dma_start3A_911, %dma_start3A_912] : memref<1000000x64xf32, #tpu.memory_space<hbm>> -> memref<1000000x64xf32, #tpu.memory_space<hbm>>
      %dma_start3A_914 = tpu.memref_slice %arg7[%dma_start3A_903] : memref<8x!tpu.dma_semaphore, #tpu.memory_space<semaphore_mem>> -> memref<1x!tpu.dma_semaphore, #tpu.memory_space<semaphore_mem>>
      %dma_start3A_915 = tpu.memref_squeeze %dma_start3A_914 : memref<1x!tpu.dma_semaphore, #tpu.memory_space<semaphore_mem>> -> memref<!tpu.dma_semaphore, #tpu.memory_space<semaphore_mem>>
      tpu.enqueue_indirect_dma source(%dma_start3A_913 : memref<1000000x64xf32, #tpu.memory_space<hbm>>) target(%dma_start3A_907 : memref<128x64xf32, #tpu.memory_space<vmem>>) offsets(%dma_start3A_910 : memref<128xi32, #tpu.memory_space<vmem>>) semaphore(%dma_start3A_915 : memref<!tpu.dma_semaphore, #tpu.memory_space<semaphore_mem>>)
      %dma_wait3A_916 = arith.constant 3 : i32
      %dma_wait3A_917 = arith.constant 3 : i32
      %dma_wait3A_918 = arith.constant 0 : i32
      %dma_wait3A_919 = arith.constant 0 : i32
      %dma_wait3A_920 = tpu.memref_slice %arg6[%dma_wait3A_916, %dma_wait3A_918, %dma_wait3A_919] : memref<8x128x64xf32, #tpu.memory_space<vmem>> -> memref<1x128x64xf32, #tpu.memory_space<vmem>>
      %dma_wait3A_921 = tpu.memref_squeeze %dma_wait3A_920 : memref<1x128x64xf32, #tpu.memory_space<vmem>> -> memref<128x64xf32, #tpu.memory_space<vmem>>
      %dma_wait3A_922 = arith.constant 0 : i32
      %dma_wait3A_923 = tpu.memref_slice %arg4[%mul3A_4, %dma_wait3A_922] : memref<819200x128xf32, #tpu.memory_space<hbm>> -> memref<128x64xf32, #tpu.memory_space<hbm>>
      %dma_wait3A_924 = tpu.memref_slice %arg8[%dma_wait3A_917] : memref<8x!tpu.dma_semaphore, #tpu.memory_space<semaphore_mem>> -> memref<1x!tpu.dma_semaphore, #tpu.memory_space<semaphore_mem>>
      %dma_wait3A_925 = tpu.memref_squeeze %dma_wait3A_924 : memref<1x!tpu.dma_semaphore, #tpu.memory_space<semaphore_mem>> -> memref<!tpu.dma_semaphore, #tpu.memory_space<semaphore_mem>>
      %dma_wait3A_926 = arith.constant 0 : i32
      %dma_wait3A_927 = tpu.memref_slice %arg4[%mul3A_4, %dma_wait3A_926] : memref<819200x128xf32, #tpu.memory_space<hbm>> -> memref<128x64xf32, #tpu.memory_space<hbm>>
      %dma_wait3A_928 = arith.constant 0 : i32
      %dma_wait3A_929 = arith.constant 0 : i32
      %dma_wait3A_930 = tpu.memref_slice %arg6[%dma_wait3A_916, %dma_wait3A_928, %dma_wait3A_929] : memref<8x128x64xf32, #tpu.memory_space<vmem>> -> memref<1x128x64xf32, #tpu.memory_space<vmem>>
      %dma_wait3A_931 = tpu.memref_squeeze %dma_wait3A_930 : memref<1x128x64xf32, #tpu.memory_space<vmem>> -> memref<128x64xf32, #tpu.memory_space<vmem>>
      tpu.wait_dma2 semaphore(%dma_wait3A_925 : memref<!tpu.dma_semaphore, #tpu.memory_space<semaphore_mem>>) src(%dma_wait3A_931 : memref<128x64xf32, #tpu.memory_space<vmem>>) dst(%dma_wait3A_927 : memref<128x64xf32, #tpu.memory_space<hbm>>)
      %add3A_932 = arith.constant 8 : i32
      %add3A_933 = arith.addi %mul3A_525, %add3A_932 : i32
      %add3A_934 = arith.constant 3 : i32
      %add3A_935 = arith.addi %add3A_933, %add3A_934 : i32
      %dma_start3A_936 = arith.constant 3 : i32
      %dma_start3A_937 = arith.constant 3 : i32
      %dma_start3A_938 = arith.constant 0 : i32
      %dma_start3A_939 = arith.constant 0 : i32
      %dma_start3A_940 = tpu.memref_slice %arg6[%dma_start3A_936, %dma_start3A_938, %dma_start3A_939] : memref<8x128x64xf32, #tpu.memory_space<vmem>> -> memref<1x128x64xf32, #tpu.memory_space<vmem>>
      %dma_start3A_941 = tpu.memref_squeeze %dma_start3A_940 : memref<1x128x64xf32, #tpu.memory_space<vmem>> -> memref<128x64xf32, #tpu.memory_space<vmem>>
      %dma_start3A_942 = arith.constant 0 : i32
      %dma_start3A_943 = tpu.memref_slice %arg5[%add3A_935, %dma_start3A_942] : memref<200x128xi32, #tpu.memory_space<vmem>> -> memref<1x128xi32, #tpu.memory_space<vmem>>
      %dma_start3A_944 = tpu.memref_squeeze %dma_start3A_943 : memref<1x128xi32, #tpu.memory_space<vmem>> -> memref<128xi32, #tpu.memory_space<vmem>>
      %dma_start3A_945 = arith.constant 0 : i32
      %dma_start3A_946 = arith.constant 0 : i32
      %dma_start3A_947 = tpu.memref_slice %arg2[%dma_start3A_945, %dma_start3A_946] : memref<1000000x64xf32, #tpu.memory_space<hbm>> -> memref<1000000x64xf32, #tpu.memory_space<hbm>>
      %dma_start3A_948 = tpu.memref_slice %arg7[%dma_start3A_937] : memref<8x!tpu.dma_semaphore, #tpu.memory_space<semaphore_mem>> -> memref<1x!tpu.dma_semaphore, #tpu.memory_space<semaphore_mem>>
      %dma_start3A_949 = tpu.memref_squeeze %dma_start3A_948 : memref<1x!tpu.dma_semaphore, #tpu.memory_space<semaphore_mem>> -> memref<!tpu.dma_semaphore, #tpu.memory_space<semaphore_mem>>
      tpu.enqueue_indirect_dma source(%dma_start3A_947 : memref<1000000x64xf32, #tpu.memory_space<hbm>>) target(%dma_start3A_941 : memref<128x64xf32, #tpu.memory_space<vmem>>) offsets(%dma_start3A_944 : memref<128xi32, #tpu.memory_space<vmem>>) semaphore(%dma_start3A_949 : memref<!tpu.dma_semaphore, #tpu.memory_space<semaphore_mem>>)
      %dma_wait3A_950 = arith.constant 4 : i32
      %dma_wait3A_951 = arith.constant 4 : i32
      %dma_wait3A_952 = arith.constant 0 : i32
      %dma_wait3A_953 = arith.constant 0 : i32
      %dma_wait3A_954 = tpu.memref_slice %arg6[%dma_wait3A_950, %dma_wait3A_952, %dma_wait3A_953] : memref<8x128x64xf32, #tpu.memory_space<vmem>> -> memref<1x128x64xf32, #tpu.memory_space<vmem>>
      %dma_wait3A_955 = tpu.memref_squeeze %dma_wait3A_954 : memref<1x128x64xf32, #tpu.memory_space<vmem>> -> memref<128x64xf32, #tpu.memory_space<vmem>>
      %dma_wait3A_956 = arith.constant 0 : i32
      %dma_wait3A_957 = tpu.memref_slice %arg4[%mul3A_4, %dma_wait3A_956] : memref<819200x128xf32, #tpu.memory_space<hbm>> -> memref<128x64xf32, #tpu.memory_space<hbm>>
      %dma_wait3A_958 = tpu.memref_slice %arg8[%dma_wait3A_951] : memref<8x!tpu.dma_semaphore, #tpu.memory_space<semaphore_mem>> -> memref<1x!tpu.dma_semaphore, #tpu.memory_space<semaphore_mem>>
      %dma_wait3A_959 = tpu.memref_squeeze %dma_wait3A_958 : memref<1x!tpu.dma_semaphore, #tpu.memory_space<semaphore_mem>> -> memref<!tpu.dma_semaphore, #tpu.memory_space<semaphore_mem>>
      %dma_wait3A_960 = arith.constant 0 : i32
      %dma_wait3A_961 = tpu.memref_slice %arg4[%mul3A_4, %dma_wait3A_960] : memref<819200x128xf32, #tpu.memory_space<hbm>> -> memref<128x64xf32, #tpu.memory_space<hbm>>
      %dma_wait3A_962 = arith.constant 0 : i32
      %dma_wait3A_963 = arith.constant 0 : i32
      %dma_wait3A_964 = tpu.memref_slice %arg6[%dma_wait3A_950, %dma_wait3A_962, %dma_wait3A_963] : memref<8x128x64xf32, #tpu.memory_space<vmem>> -> memref<1x128x64xf32, #tpu.memory_space<vmem>>
      %dma_wait3A_965 = tpu.memref_squeeze %dma_wait3A_964 : memref<1x128x64xf32, #tpu.memory_space<vmem>> -> memref<128x64xf32, #tpu.memory_space<vmem>>
      tpu.wait_dma2 semaphore(%dma_wait3A_959 : memref<!tpu.dma_semaphore, #tpu.memory_space<semaphore_mem>>) src(%dma_wait3A_965 : memref<128x64xf32, #tpu.memory_space<vmem>>) dst(%dma_wait3A_961 : memref<128x64xf32, #tpu.memory_space<hbm>>)
      %add3A_966 = arith.constant 8 : i32
      %add3A_967 = arith.addi %mul3A_525, %add3A_966 : i32
      %add3A_968 = arith.constant 4 : i32
      %add3A_969 = arith.addi %add3A_967, %add3A_968 : i32
      %dma_start3A_970 = arith.constant 4 : i32
      %dma_start3A_971 = arith.constant 4 : i32
      %dma_start3A_972 = arith.constant 0 : i32
      %dma_start3A_973 = arith.constant 0 : i32
      %dma_start3A_974 = tpu.memref_slice %arg6[%dma_start3A_970, %dma_start3A_972, %dma_start3A_973] : memref<8x128x64xf32, #tpu.memory_space<vmem>> -> memref<1x128x64xf32, #tpu.memory_space<vmem>>
      %dma_start3A_975 = tpu.memref_squeeze %dma_start3A_974 : memref<1x128x64xf32, #tpu.memory_space<vmem>> -> memref<128x64xf32, #tpu.memory_space<vmem>>
      %dma_start3A_976 = arith.constant 0 : i32
      %dma_start3A_977 = tpu.memref_slice %arg5[%add3A_969, %dma_start3A_976] : memref<200x128xi32, #tpu.memory_space<vmem>> -> memref<1x128xi32, #tpu.memory_space<vmem>>
      %dma_start3A_978 = tpu.memref_squeeze %dma_start3A_977 : memref<1x128xi32, #tpu.memory_space<vmem>> -> memref<128xi32, #tpu.memory_space<vmem>>
      %dma_start3A_979 = arith.constant 0 : i32
      %dma_start3A_980 = arith.constant 0 : i32
      %dma_start3A_981 = tpu.memref_slice %arg2[%dma_start3A_979, %dma_start3A_980] : memref<1000000x64xf32, #tpu.memory_space<hbm>> -> memref<1000000x64xf32, #tpu.memory_space<hbm>>
      %dma_start3A_982 = tpu.memref_slice %arg7[%dma_start3A_971] : memref<8x!tpu.dma_semaphore, #tpu.memory_space<semaphore_mem>> -> memref<1x!tpu.dma_semaphore, #tpu.memory_space<semaphore_mem>>
      %dma_start3A_983 = tpu.memref_squeeze %dma_start3A_982 : memref<1x!tpu.dma_semaphore, #tpu.memory_space<semaphore_mem>> -> memref<!tpu.dma_semaphore, #tpu.memory_space<semaphore_mem>>
      tpu.enqueue_indirect_dma source(%dma_start3A_981 : memref<1000000x64xf32, #tpu.memory_space<hbm>>) target(%dma_start3A_975 : memref<128x64xf32, #tpu.memory_space<vmem>>) offsets(%dma_start3A_978 : memref<128xi32, #tpu.memory_space<vmem>>) semaphore(%dma_start3A_983 : memref<!tpu.dma_semaphore, #tpu.memory_space<semaphore_mem>>)
      %dma_wait3A_984 = arith.constant 5 : i32
      %dma_wait3A_985 = arith.constant 5 : i32
      %dma_wait3A_986 = arith.constant 0 : i32
      %dma_wait3A_987 = arith.constant 0 : i32
      %dma_wait3A_988 = tpu.memref_slice %arg6[%dma_wait3A_984, %dma_wait3A_986, %dma_wait3A_987] : memref<8x128x64xf32, #tpu.memory_space<vmem>> -> memref<1x128x64xf32, #tpu.memory_space<vmem>>
      %dma_wait3A_989 = tpu.memref_squeeze %dma_wait3A_988 : memref<1x128x64xf32, #tpu.memory_space<vmem>> -> memref<128x64xf32, #tpu.memory_space<vmem>>
      %dma_wait3A_990 = arith.constant 0 : i32
      %dma_wait3A_991 = tpu.memref_slice %arg4[%mul3A_4, %dma_wait3A_990] : memref<819200x128xf32, #tpu.memory_space<hbm>> -> memref<128x64xf32, #tpu.memory_space<hbm>>
      %dma_wait3A_992 = tpu.memref_slice %arg8[%dma_wait3A_985] : memref<8x!tpu.dma_semaphore, #tpu.memory_space<semaphore_mem>> -> memref<1x!tpu.dma_semaphore, #tpu.memory_space<semaphore_mem>>
      %dma_wait3A_993 = tpu.memref_squeeze %dma_wait3A_992 : memref<1x!tpu.dma_semaphore, #tpu.memory_space<semaphore_mem>> -> memref<!tpu.dma_semaphore, #tpu.memory_space<semaphore_mem>>
      %dma_wait3A_994 = arith.constant 0 : i32
      %dma_wait3A_995 = tpu.memref_slice %arg4[%mul3A_4, %dma_wait3A_994] : memref<819200x128xf32, #tpu.memory_space<hbm>> -> memref<128x64xf32, #tpu.memory_space<hbm>>
      %dma_wait3A_996 = arith.constant 0 : i32
      %dma_wait3A_997 = arith.constant 0 : i32
      %dma_wait3A_998 = tpu.memref_slice %arg6[%dma_wait3A_984, %dma_wait3A_996, %dma_wait3A_997] : memref<8x128x64xf32, #tpu.memory_space<vmem>> -> memref<1x128x64xf32, #tpu.memory_space<vmem>>
      %dma_wait3A_999 = tpu.memref_squeeze %dma_wait3A_998 : memref<1x128x64xf32, #tpu.memory_space<vmem>> -> memref<128x64xf32, #tpu.memory_space<vmem>>
      tpu.wait_dma2 semaphore(%dma_wait3A_993 : memref<!tpu.dma_semaphore, #tpu.memory_space<semaphore_mem>>) src(%dma_wait3A_999 : memref<128x64xf32, #tpu.memory_space<vmem>>) dst(%dma_wait3A_995 : memref<128x64xf32, #tpu.memory_space<hbm>>)
      %add3A_1000 = arith.constant 8 : i32
      %add3A_1001 = arith.addi %mul3A_525, %add3A_1000 : i32
      %add3A_1002 = arith.constant 5 : i32
      %add3A_1003 = arith.addi %add3A_1001, %add3A_1002 : i32
      %dma_start3A_1004 = arith.constant 5 : i32
      %dma_start3A_1005 = arith.constant 5 : i32
      %dma_start3A_1006 = arith.constant 0 : i32
      %dma_start3A_1007 = arith.constant 0 : i32
      %dma_start3A_1008 = tpu.memref_slice %arg6[%dma_start3A_1004, %dma_start3A_1006, %dma_start3A_1007] : memref<8x128x64xf32, #tpu.memory_space<vmem>> -> memref<1x128x64xf32, #tpu.memory_space<vmem>>
      %dma_start3A_1009 = tpu.memref_squeeze %dma_start3A_1008 : memref<1x128x64xf32, #tpu.memory_space<vmem>> -> memref<128x64xf32, #tpu.memory_space<vmem>>
      %dma_start3A_1010 = arith.constant 0 : i32
      %dma_start3A_1011 = tpu.memref_slice %arg5[%add3A_1003, %dma_start3A_1010] : memref<200x128xi32, #tpu.memory_space<vmem>> -> memref<1x128xi32, #tpu.memory_space<vmem>>
      %dma_start3A_1012 = tpu.memref_squeeze %dma_start3A_1011 : memref<1x128xi32, #tpu.memory_space<vmem>> -> memref<128xi32, #tpu.memory_space<vmem>>
      %dma_start3A_1013 = arith.constant 0 : i32
      %dma_start3A_1014 = arith.constant 0 : i32
      %dma_start3A_1015 = tpu.memref_slice %arg2[%dma_start3A_1013, %dma_start3A_1014] : memref<1000000x64xf32, #tpu.memory_space<hbm>> -> memref<1000000x64xf32, #tpu.memory_space<hbm>>
      %dma_start3A_1016 = tpu.memref_slice %arg7[%dma_start3A_1005] : memref<8x!tpu.dma_semaphore, #tpu.memory_space<semaphore_mem>> -> memref<1x!tpu.dma_semaphore, #tpu.memory_space<semaphore_mem>>
      %dma_start3A_1017 = tpu.memref_squeeze %dma_start3A_1016 : memref<1x!tpu.dma_semaphore, #tpu.memory_space<semaphore_mem>> -> memref<!tpu.dma_semaphore, #tpu.memory_space<semaphore_mem>>
      tpu.enqueue_indirect_dma source(%dma_start3A_1015 : memref<1000000x64xf32, #tpu.memory_space<hbm>>) target(%dma_start3A_1009 : memref<128x64xf32, #tpu.memory_space<vmem>>) offsets(%dma_start3A_1012 : memref<128xi32, #tpu.memory_space<vmem>>) semaphore(%dma_start3A_1017 : memref<!tpu.dma_semaphore, #tpu.memory_space<semaphore_mem>>)
      %dma_wait3A_1018 = arith.constant 6 : i32
      %dma_wait3A_1019 = arith.constant 6 : i32
      %dma_wait3A_1020 = arith.constant 0 : i32
      %dma_wait3A_1021 = arith.constant 0 : i32
      %dma_wait3A_1022 = tpu.memref_slice %arg6[%dma_wait3A_1018, %dma_wait3A_1020, %dma_wait3A_1021] : memref<8x128x64xf32, #tpu.memory_space<vmem>> -> memref<1x128x64xf32, #tpu.memory_space<vmem>>
      %dma_wait3A_1023 = tpu.memref_squeeze %dma_wait3A_1022 : memref<1x128x64xf32, #tpu.memory_space<vmem>> -> memref<128x64xf32, #tpu.memory_space<vmem>>
      %dma_wait3A_1024 = arith.constant 0 : i32
      %dma_wait3A_1025 = tpu.memref_slice %arg4[%mul3A_4, %dma_wait3A_1024] : memref<819200x128xf32, #tpu.memory_space<hbm>> -> memref<128x64xf32, #tpu.memory_space<hbm>>
      %dma_wait3A_1026 = tpu.memref_slice %arg8[%dma_wait3A_1019] : memref<8x!tpu.dma_semaphore, #tpu.memory_space<semaphore_mem>> -> memref<1x!tpu.dma_semaphore, #tpu.memory_space<semaphore_mem>>
      %dma_wait3A_1027 = tpu.memref_squeeze %dma_wait3A_1026 : memref<1x!tpu.dma_semaphore, #tpu.memory_space<semaphore_mem>> -> memref<!tpu.dma_semaphore, #tpu.memory_space<semaphore_mem>>
      %dma_wait3A_1028 = arith.constant 0 : i32
      %dma_wait3A_1029 = tpu.memref_slice %arg4[%mul3A_4, %dma_wait3A_1028] : memref<819200x128xf32, #tpu.memory_space<hbm>> -> memref<128x64xf32, #tpu.memory_space<hbm>>
      %dma_wait3A_1030 = arith.constant 0 : i32
      %dma_wait3A_1031 = arith.constant 0 : i32
      %dma_wait3A_1032 = tpu.memref_slice %arg6[%dma_wait3A_1018, %dma_wait3A_1030, %dma_wait3A_1031] : memref<8x128x64xf32, #tpu.memory_space<vmem>> -> memref<1x128x64xf32, #tpu.memory_space<vmem>>
      %dma_wait3A_1033 = tpu.memref_squeeze %dma_wait3A_1032 : memref<1x128x64xf32, #tpu.memory_space<vmem>> -> memref<128x64xf32, #tpu.memory_space<vmem>>
      tpu.wait_dma2 semaphore(%dma_wait3A_1027 : memref<!tpu.dma_semaphore, #tpu.memory_space<semaphore_mem>>) src(%dma_wait3A_1033 : memref<128x64xf32, #tpu.memory_space<vmem>>) dst(%dma_wait3A_1029 : memref<128x64xf32, #tpu.memory_space<hbm>>)
      %add3A_1034 = arith.constant 8 : i32
      %add3A_1035 = arith.addi %mul3A_525, %add3A_1034 : i32
      %add3A_1036 = arith.constant 6 : i32
      %add3A_1037 = arith.addi %add3A_1035, %add3A_1036 : i32
      %dma_start3A_1038 = arith.constant 6 : i32
      %dma_start3A_1039 = arith.constant 6 : i32
      %dma_start3A_1040 = arith.constant 0 : i32
      %dma_start3A_1041 = arith.constant 0 : i32
      %dma_start3A_1042 = tpu.memref_slice %arg6[%dma_start3A_1038, %dma_start3A_1040, %dma_start3A_1041] : memref<8x128x64xf32, #tpu.memory_space<vmem>> -> memref<1x128x64xf32, #tpu.memory_space<vmem>>
      %dma_start3A_1043 = tpu.memref_squeeze %dma_start3A_1042 : memref<1x128x64xf32, #tpu.memory_space<vmem>> -> memref<128x64xf32, #tpu.memory_space<vmem>>
      %dma_start3A_1044 = arith.constant 0 : i32
      %dma_start3A_1045 = tpu.memref_slice %arg5[%add3A_1037, %dma_start3A_1044] : memref<200x128xi32, #tpu.memory_space<vmem>> -> memref<1x128xi32, #tpu.memory_space<vmem>>
      %dma_start3A_1046 = tpu.memref_squeeze %dma_start3A_1045 : memref<1x128xi32, #tpu.memory_space<vmem>> -> memref<128xi32, #tpu.memory_space<vmem>>
      %dma_start3A_1047 = arith.constant 0 : i32
      %dma_start3A_1048 = arith.constant 0 : i32
      %dma_start3A_1049 = tpu.memref_slice %arg2[%dma_start3A_1047, %dma_start3A_1048] : memref<1000000x64xf32, #tpu.memory_space<hbm>> -> memref<1000000x64xf32, #tpu.memory_space<hbm>>
      %dma_start3A_1050 = tpu.memref_slice %arg7[%dma_start3A_1039] : memref<8x!tpu.dma_semaphore, #tpu.memory_space<semaphore_mem>> -> memref<1x!tpu.dma_semaphore, #tpu.memory_space<semaphore_mem>>
      %dma_start3A_1051 = tpu.memref_squeeze %dma_start3A_1050 : memref<1x!tpu.dma_semaphore, #tpu.memory_space<semaphore_mem>> -> memref<!tpu.dma_semaphore, #tpu.memory_space<semaphore_mem>>
      tpu.enqueue_indirect_dma source(%dma_start3A_1049 : memref<1000000x64xf32, #tpu.memory_space<hbm>>) target(%dma_start3A_1043 : memref<128x64xf32, #tpu.memory_space<vmem>>) offsets(%dma_start3A_1046 : memref<128xi32, #tpu.memory_space<vmem>>) semaphore(%dma_start3A_1051 : memref<!tpu.dma_semaphore, #tpu.memory_space<semaphore_mem>>)
      %dma_wait3A_1052 = arith.constant 7 : i32
      %dma_wait3A_1053 = arith.constant 7 : i32
      %dma_wait3A_1054 = arith.constant 0 : i32
      %dma_wait3A_1055 = arith.constant 0 : i32
      %dma_wait3A_1056 = tpu.memref_slice %arg6[%dma_wait3A_1052, %dma_wait3A_1054, %dma_wait3A_1055] : memref<8x128x64xf32, #tpu.memory_space<vmem>> -> memref<1x128x64xf32, #tpu.memory_space<vmem>>
      %dma_wait3A_1057 = tpu.memref_squeeze %dma_wait3A_1056 : memref<1x128x64xf32, #tpu.memory_space<vmem>> -> memref<128x64xf32, #tpu.memory_space<vmem>>
      %dma_wait3A_1058 = arith.constant 0 : i32
      %dma_wait3A_1059 = tpu.memref_slice %arg4[%mul3A_4, %dma_wait3A_1058] : memref<819200x128xf32, #tpu.memory_space<hbm>> -> memref<128x64xf32, #tpu.memory_space<hbm>>
      %dma_wait3A_1060 = tpu.memref_slice %arg8[%dma_wait3A_1053] : memref<8x!tpu.dma_semaphore, #tpu.memory_space<semaphore_mem>> -> memref<1x!tpu.dma_semaphore, #tpu.memory_space<semaphore_mem>>
      %dma_wait3A_1061 = tpu.memref_squeeze %dma_wait3A_1060 : memref<1x!tpu.dma_semaphore, #tpu.memory_space<semaphore_mem>> -> memref<!tpu.dma_semaphore, #tpu.memory_space<semaphore_mem>>
      %dma_wait3A_1062 = arith.constant 0 : i32
      %dma_wait3A_1063 = tpu.memref_slice %arg4[%mul3A_4, %dma_wait3A_1062] : memref<819200x128xf32, #tpu.memory_space<hbm>> -> memref<128x64xf32, #tpu.memory_space<hbm>>
      %dma_wait3A_1064 = arith.constant 0 : i32
      %dma_wait3A_1065 = arith.constant 0 : i32
      %dma_wait3A_1066 = tpu.memref_slice %arg6[%dma_wait3A_1052, %dma_wait3A_1064, %dma_wait3A_1065] : memref<8x128x64xf32, #tpu.memory_space<vmem>> -> memref<1x128x64xf32, #tpu.memory_space<vmem>>
      %dma_wait3A_1067 = tpu.memref_squeeze %dma_wait3A_1066 : memref<1x128x64xf32, #tpu.memory_space<vmem>> -> memref<128x64xf32, #tpu.memory_space<vmem>>
      tpu.wait_dma2 semaphore(%dma_wait3A_1061 : memref<!tpu.dma_semaphore, #tpu.memory_space<semaphore_mem>>) src(%dma_wait3A_1067 : memref<128x64xf32, #tpu.memory_space<vmem>>) dst(%dma_wait3A_1063 : memref<128x64xf32, #tpu.memory_space<hbm>>)
      %add3A_1068 = arith.constant 8 : i32
      %add3A_1069 = arith.addi %mul3A_525, %add3A_1068 : i32
      %add3A_1070 = arith.constant 7 : i32
      %add3A_1071 = arith.addi %add3A_1069, %add3A_1070 : i32
      %dma_start3A_1072 = arith.constant 7 : i32
      %dma_start3A_1073 = arith.constant 7 : i32
      %dma_start3A_1074 = arith.constant 0 : i32
      %dma_start3A_1075 = arith.constant 0 : i32
      %dma_start3A_1076 = tpu.memref_slice %arg6[%dma_start3A_1072, %dma_start3A_1074, %dma_start3A_1075] : memref<8x128x64xf32, #tpu.memory_space<vmem>> -> memref<1x128x64xf32, #tpu.memory_space<vmem>>
      %dma_start3A_1077 = tpu.memref_squeeze %dma_start3A_1076 : memref<1x128x64xf32, #tpu.memory_space<vmem>> -> memref<128x64xf32, #tpu.memory_space<vmem>>
      %dma_start3A_1078 = arith.constant 0 : i32
      %dma_start3A_1079 = tpu.memref_slice %arg5[%add3A_1071, %dma_start3A_1078] : memref<200x128xi32, #tpu.memory_space<vmem>> -> memref<1x128xi32, #tpu.memory_space<vmem>>
      %dma_start3A_1080 = tpu.memref_squeeze %dma_start3A_1079 : memref<1x128xi32, #tpu.memory_space<vmem>> -> memref<128xi32, #tpu.memory_space<vmem>>
      %dma_start3A_1081 = arith.constant 0 : i32
      %dma_start3A_1082 = arith.constant 0 : i32
      %dma_start3A_1083 = tpu.memref_slice %arg2[%dma_start3A_1081, %dma_start3A_1082] : memref<1000000x64xf32, #tpu.memory_space<hbm>> -> memref<1000000x64xf32, #tpu.memory_space<hbm>>
      %dma_start3A_1084 = tpu.memref_slice %arg7[%dma_start3A_1073] : memref<8x!tpu.dma_semaphore, #tpu.memory_space<semaphore_mem>> -> memref<1x!tpu.dma_semaphore, #tpu.memory_space<semaphore_mem>>
      %dma_start3A_1085 = tpu.memref_squeeze %dma_start3A_1084 : memref<1x!tpu.dma_semaphore, #tpu.memory_space<semaphore_mem>> -> memref<!tpu.dma_semaphore, #tpu.memory_space<semaphore_mem>>
      tpu.enqueue_indirect_dma source(%dma_start3A_1083 : memref<1000000x64xf32, #tpu.memory_space<hbm>>) target(%dma_start3A_1077 : memref<128x64xf32, #tpu.memory_space<vmem>>) offsets(%dma_start3A_1080 : memref<128xi32, #tpu.memory_space<vmem>>) semaphore(%dma_start3A_1085 : memref<!tpu.dma_semaphore, #tpu.memory_space<semaphore_mem>>)
    }
    %scan3A_127 = arith.constant 24 : i32
    %dma_wait3A = arith.constant 0 : i32
    %dma_wait3A_128 = arith.constant 0 : i32
    %dma_wait3A_129 = arith.constant 0 : i32
    %dma_wait3A_130 = arith.constant 0 : i32
    %dma_wait3A_131 = arith.constant 0 : i32
    %dma_wait3A_132 = tpu.memref_slice %arg6[%dma_wait3A_128, %dma_wait3A_130, %dma_wait3A_131] : memref<8x128x64xf32, #tpu.memory_space<vmem>> -> memref<1x128x64xf32, #tpu.memory_space<vmem>>
    %dma_wait3A_133 = tpu.memref_squeeze %dma_wait3A_132 : memref<1x128x64xf32, #tpu.memory_space<vmem>> -> memref<128x64xf32, #tpu.memory_space<vmem>>
    %dma_wait3A_134 = arith.constant 0 : i32
    %dma_wait3A_135 = tpu.memref_slice %arg5[%dma_wait3A, %dma_wait3A_134] : memref<200x128xi32, #tpu.memory_space<vmem>> -> memref<1x128xi32, #tpu.memory_space<vmem>>
    %dma_wait3A_136 = tpu.memref_squeeze %dma_wait3A_135 : memref<1x128xi32, #tpu.memory_space<vmem>> -> memref<128xi32, #tpu.memory_space<vmem>>
    %dma_wait3A_137 = arith.constant 0 : i32
    %dma_wait3A_138 = arith.constant 0 : i32
    %dma_wait3A_139 = tpu.memref_slice %arg2[%dma_wait3A_137, %dma_wait3A_138] : memref<1000000x64xf32, #tpu.memory_space<hbm>> -> memref<1000000x64xf32, #tpu.memory_space<hbm>>
    %dma_wait3A_140 = tpu.memref_slice %arg7[%dma_wait3A_129] : memref<8x!tpu.dma_semaphore, #tpu.memory_space<semaphore_mem>> -> memref<1x!tpu.dma_semaphore, #tpu.memory_space<semaphore_mem>>
    %dma_wait3A_141 = tpu.memref_squeeze %dma_wait3A_140 : memref<1x!tpu.dma_semaphore, #tpu.memory_space<semaphore_mem>> -> memref<!tpu.dma_semaphore, #tpu.memory_space<semaphore_mem>>
    tpu.wait_indirect_dma semaphore(%dma_wait3A_141 : memref<!tpu.dma_semaphore, #tpu.memory_space<semaphore_mem>>) src(%dma_wait3A_139 : memref<1000000x64xf32, #tpu.memory_space<hbm>>) dst(%dma_wait3A_133 : memref<128x64xf32, #tpu.memory_space<vmem>>)
    %add3A_142 = arith.constant 24576 : i32
    %add3A_143 = arith.addi %mul3A_4, %add3A_142 : i32
    %dma_start3A_144 = arith.constant 0 : i32
    %dma_start3A_145 = arith.constant 0 : i32
    %dma_start3A_146 = arith.constant 0 : i32
    %dma_start3A_147 = arith.constant 0 : i32
    %dma_start3A_148 = tpu.memref_slice %arg6[%dma_start3A_144, %dma_start3A_146, %dma_start3A_147] : memref<8x128x64xf32, #tpu.memory_space<vmem>> -> memref<1x128x64xf32, #tpu.memory_space<vmem>>
    %dma_start3A_149 = tpu.memref_squeeze %dma_start3A_148 : memref<1x128x64xf32, #tpu.memory_space<vmem>> -> memref<128x64xf32, #tpu.memory_space<vmem>>
    %dma_start3A_150 = arith.constant 0 : i32
    %dma_start3A_151 = tpu.memref_slice %arg4[%add3A_143, %dma_start3A_150] : memref<819200x128xf32, #tpu.memory_space<hbm>> -> memref<128x64xf32, #tpu.memory_space<hbm>>
    %dma_start3A_152 = tpu.memref_slice %arg8[%dma_start3A_145] : memref<8x!tpu.dma_semaphore, #tpu.memory_space<semaphore_mem>> -> memref<1x!tpu.dma_semaphore, #tpu.memory_space<semaphore_mem>>
    %dma_start3A_153 = tpu.memref_squeeze %dma_start3A_152 : memref<1x!tpu.dma_semaphore, #tpu.memory_space<semaphore_mem>> -> memref<!tpu.dma_semaphore, #tpu.memory_space<semaphore_mem>>
    %dma_start3A_154 = arith.constant 0 : i32
    %dma_start3A_155 = tpu.memref_slice %arg4[%add3A_143, %dma_start3A_154] : memref<819200x128xf32, #tpu.memory_space<hbm>> -> memref<128x64xf32, #tpu.memory_space<hbm>>
    %dma_start3A_156 = arith.constant 0 : i32
    %dma_start3A_157 = arith.constant 0 : i32
    %dma_start3A_158 = tpu.memref_slice %arg6[%dma_start3A_144, %dma_start3A_156, %dma_start3A_157] : memref<8x128x64xf32, #tpu.memory_space<vmem>> -> memref<1x128x64xf32, #tpu.memory_space<vmem>>
    %dma_start3A_159 = tpu.memref_squeeze %dma_start3A_158 : memref<1x128x64xf32, #tpu.memory_space<vmem>> -> memref<128x64xf32, #tpu.memory_space<vmem>>
    tpu.enqueue_dma source(%dma_start3A_159 : memref<128x64xf32, #tpu.memory_space<vmem>>) target(%dma_start3A_155 : memref<128x64xf32, #tpu.memory_space<hbm>>) target_semaphore(%dma_start3A_153 : memref<!tpu.dma_semaphore, #tpu.memory_space<semaphore_mem>>)
    %dma_wait3A_160 = arith.constant 0 : i32
    %dma_wait3A_161 = arith.constant 1 : i32
    %dma_wait3A_162 = arith.constant 1 : i32
    %dma_wait3A_163 = arith.constant 0 : i32
    %dma_wait3A_164 = arith.constant 0 : i32
    %dma_wait3A_165 = tpu.memref_slice %arg6[%dma_wait3A_161, %dma_wait3A_163, %dma_wait3A_164] : memref<8x128x64xf32, #tpu.memory_space<vmem>> -> memref<1x128x64xf32, #tpu.memory_space<vmem>>
    %dma_wait3A_166 = tpu.memref_squeeze %dma_wait3A_165 : memref<1x128x64xf32, #tpu.memory_space<vmem>> -> memref<128x64xf32, #tpu.memory_space<vmem>>
    %dma_wait3A_167 = arith.constant 0 : i32
    %dma_wait3A_168 = tpu.memref_slice %arg5[%dma_wait3A_160, %dma_wait3A_167] : memref<200x128xi32, #tpu.memory_space<vmem>> -> memref<1x128xi32, #tpu.memory_space<vmem>>
    %dma_wait3A_169 = tpu.memref_squeeze %dma_wait3A_168 : memref<1x128xi32, #tpu.memory_space<vmem>> -> memref<128xi32, #tpu.memory_space<vmem>>
    %dma_wait3A_170 = arith.constant 0 : i32
    %dma_wait3A_171 = arith.constant 0 : i32
    %dma_wait3A_172 = tpu.memref_slice %arg2[%dma_wait3A_170, %dma_wait3A_171] : memref<1000000x64xf32, #tpu.memory_space<hbm>> -> memref<1000000x64xf32, #tpu.memory_space<hbm>>
    %dma_wait3A_173 = tpu.memref_slice %arg7[%dma_wait3A_162] : memref<8x!tpu.dma_semaphore, #tpu.memory_space<semaphore_mem>> -> memref<1x!tpu.dma_semaphore, #tpu.memory_space<semaphore_mem>>
    %dma_wait3A_174 = tpu.memref_squeeze %dma_wait3A_173 : memref<1x!tpu.dma_semaphore, #tpu.memory_space<semaphore_mem>> -> memref<!tpu.dma_semaphore, #tpu.memory_space<semaphore_mem>>
    tpu.wait_indirect_dma semaphore(%dma_wait3A_174 : memref<!tpu.dma_semaphore, #tpu.memory_space<semaphore_mem>>) src(%dma_wait3A_172 : memref<1000000x64xf32, #tpu.memory_space<hbm>>) dst(%dma_wait3A_166 : memref<128x64xf32, #tpu.memory_space<vmem>>)
    %add3A_175 = arith.constant 24704 : i32
    %add3A_176 = arith.addi %mul3A_4, %add3A_175 : i32
    %dma_start3A_177 = arith.constant 1 : i32
    %dma_start3A_178 = arith.constant 1 : i32
    %dma_start3A_179 = arith.constant 0 : i32
    %dma_start3A_180 = arith.constant 0 : i32
    %dma_start3A_181 = tpu.memref_slice %arg6[%dma_start3A_177, %dma_start3A_179, %dma_start3A_180] : memref<8x128x64xf32, #tpu.memory_space<vmem>> -> memref<1x128x64xf32, #tpu.memory_space<vmem>>
    %dma_start3A_182 = tpu.memref_squeeze %dma_start3A_181 : memref<1x128x64xf32, #tpu.memory_space<vmem>> -> memref<128x64xf32, #tpu.memory_space<vmem>>
    %dma_start3A_183 = arith.constant 0 : i32
    %dma_start3A_184 = tpu.memref_slice %arg4[%add3A_176, %dma_start3A_183] : memref<819200x128xf32, #tpu.memory_space<hbm>> -> memref<128x64xf32, #tpu.memory_space<hbm>>
    %dma_start3A_185 = tpu.memref_slice %arg8[%dma_start3A_178] : memref<8x!tpu.dma_semaphore, #tpu.memory_space<semaphore_mem>> -> memref<1x!tpu.dma_semaphore, #tpu.memory_space<semaphore_mem>>
    %dma_start3A_186 = tpu.memref_squeeze %dma_start3A_185 : memref<1x!tpu.dma_semaphore, #tpu.memory_space<semaphore_mem>> -> memref<!tpu.dma_semaphore, #tpu.memory_space<semaphore_mem>>
    %dma_start3A_187 = arith.constant 0 : i32
    %dma_start3A_188 = tpu.memref_slice %arg4[%add3A_176, %dma_start3A_187] : memref<819200x128xf32, #tpu.memory_space<hbm>> -> memref<128x64xf32, #tpu.memory_space<hbm>>
    %dma_start3A_189 = arith.constant 0 : i32
    %dma_start3A_190 = arith.constant 0 : i32
    %dma_start3A_191 = tpu.memref_slice %arg6[%dma_start3A_177, %dma_start3A_189, %dma_start3A_190] : memref<8x128x64xf32, #tpu.memory_space<vmem>> -> memref<1x128x64xf32, #tpu.memory_space<vmem>>
    %dma_start3A_192 = tpu.memref_squeeze %dma_start3A_191 : memref<1x128x64xf32, #tpu.memory_space<vmem>> -> memref<128x64xf32, #tpu.memory_space<vmem>>
    tpu.enqueue_dma source(%dma_start3A_192 : memref<128x64xf32, #tpu.memory_space<vmem>>) target(%dma_start3A_188 : memref<128x64xf32, #tpu.memory_space<hbm>>) target_semaphore(%dma_start3A_186 : memref<!tpu.dma_semaphore, #tpu.memory_space<semaphore_mem>>)
    %dma_wait3A_193 = arith.constant 0 : i32
    %dma_wait3A_194 = arith.constant 2 : i32
    %dma_wait3A_195 = arith.constant 2 : i32
    %dma_wait3A_196 = arith.constant 0 : i32
    %dma_wait3A_197 = arith.constant 0 : i32
    %dma_wait3A_198 = tpu.memref_slice %arg6[%dma_wait3A_194, %dma_wait3A_196, %dma_wait3A_197] : memref<8x128x64xf32, #tpu.memory_space<vmem>> -> memref<1x128x64xf32, #tpu.memory_space<vmem>>
    %dma_wait3A_199 = tpu.memref_squeeze %dma_wait3A_198 : memref<1x128x64xf32, #tpu.memory_space<vmem>> -> memref<128x64xf32, #tpu.memory_space<vmem>>
    %dma_wait3A_200 = arith.constant 0 : i32
    %dma_wait3A_201 = tpu.memref_slice %arg5[%dma_wait3A_193, %dma_wait3A_200] : memref<200x128xi32, #tpu.memory_space<vmem>> -> memref<1x128xi32, #tpu.memory_space<vmem>>
    %dma_wait3A_202 = tpu.memref_squeeze %dma_wait3A_201 : memref<1x128xi32, #tpu.memory_space<vmem>> -> memref<128xi32, #tpu.memory_space<vmem>>
    %dma_wait3A_203 = arith.constant 0 : i32
    %dma_wait3A_204 = arith.constant 0 : i32
    %dma_wait3A_205 = tpu.memref_slice %arg2[%dma_wait3A_203, %dma_wait3A_204] : memref<1000000x64xf32, #tpu.memory_space<hbm>> -> memref<1000000x64xf32, #tpu.memory_space<hbm>>
    %dma_wait3A_206 = tpu.memref_slice %arg7[%dma_wait3A_195] : memref<8x!tpu.dma_semaphore, #tpu.memory_space<semaphore_mem>> -> memref<1x!tpu.dma_semaphore, #tpu.memory_space<semaphore_mem>>
    %dma_wait3A_207 = tpu.memref_squeeze %dma_wait3A_206 : memref<1x!tpu.dma_semaphore, #tpu.memory_space<semaphore_mem>> -> memref<!tpu.dma_semaphore, #tpu.memory_space<semaphore_mem>>
    tpu.wait_indirect_dma semaphore(%dma_wait3A_207 : memref<!tpu.dma_semaphore, #tpu.memory_space<semaphore_mem>>) src(%dma_wait3A_205 : memref<1000000x64xf32, #tpu.memory_space<hbm>>) dst(%dma_wait3A_199 : memref<128x64xf32, #tpu.memory_space<vmem>>)
    %add3A_208 = arith.constant 24832 : i32
    %add3A_209 = arith.addi %mul3A_4, %add3A_208 : i32
    %dma_start3A_210 = arith.constant 2 : i32
    %dma_start3A_211 = arith.constant 2 : i32
    %dma_start3A_212 = arith.constant 0 : i32
    %dma_start3A_213 = arith.constant 0 : i32
    %dma_start3A_214 = tpu.memref_slice %arg6[%dma_start3A_210, %dma_start3A_212, %dma_start3A_213] : memref<8x128x64xf32, #tpu.memory_space<vmem>> -> memref<1x128x64xf32, #tpu.memory_space<vmem>>
    %dma_start3A_215 = tpu.memref_squeeze %dma_start3A_214 : memref<1x128x64xf32, #tpu.memory_space<vmem>> -> memref<128x64xf32, #tpu.memory_space<vmem>>
    %dma_start3A_216 = arith.constant 0 : i32
    %dma_start3A_217 = tpu.memref_slice %arg4[%add3A_209, %dma_start3A_216] : memref<819200x128xf32, #tpu.memory_space<hbm>> -> memref<128x64xf32, #tpu.memory_space<hbm>>
    %dma_start3A_218 = tpu.memref_slice %arg8[%dma_start3A_211] : memref<8x!tpu.dma_semaphore, #tpu.memory_space<semaphore_mem>> -> memref<1x!tpu.dma_semaphore, #tpu.memory_space<semaphore_mem>>
    %dma_start3A_219 = tpu.memref_squeeze %dma_start3A_218 : memref<1x!tpu.dma_semaphore, #tpu.memory_space<semaphore_mem>> -> memref<!tpu.dma_semaphore, #tpu.memory_space<semaphore_mem>>
    %dma_start3A_220 = arith.constant 0 : i32
    %dma_start3A_221 = tpu.memref_slice %arg4[%add3A_209, %dma_start3A_220] : memref<819200x128xf32, #tpu.memory_space<hbm>> -> memref<128x64xf32, #tpu.memory_space<hbm>>
    %dma_start3A_222 = arith.constant 0 : i32
    %dma_start3A_223 = arith.constant 0 : i32
    %dma_start3A_224 = tpu.memref_slice %arg6[%dma_start3A_210, %dma_start3A_222, %dma_start3A_223] : memref<8x128x64xf32, #tpu.memory_space<vmem>> -> memref<1x128x64xf32, #tpu.memory_space<vmem>>
    %dma_start3A_225 = tpu.memref_squeeze %dma_start3A_224 : memref<1x128x64xf32, #tpu.memory_space<vmem>> -> memref<128x64xf32, #tpu.memory_space<vmem>>
    tpu.enqueue_dma source(%dma_start3A_225 : memref<128x64xf32, #tpu.memory_space<vmem>>) target(%dma_start3A_221 : memref<128x64xf32, #tpu.memory_space<hbm>>) target_semaphore(%dma_start3A_219 : memref<!tpu.dma_semaphore, #tpu.memory_space<semaphore_mem>>)
    %dma_wait3A_226 = arith.constant 0 : i32
    %dma_wait3A_227 = arith.constant 3 : i32
    %dma_wait3A_228 = arith.constant 3 : i32
    %dma_wait3A_229 = arith.constant 0 : i32
    %dma_wait3A_230 = arith.constant 0 : i32
    %dma_wait3A_231 = tpu.memref_slice %arg6[%dma_wait3A_227, %dma_wait3A_229, %dma_wait3A_230] : memref<8x128x64xf32, #tpu.memory_space<vmem>> -> memref<1x128x64xf32, #tpu.memory_space<vmem>>
    %dma_wait3A_232 = tpu.memref_squeeze %dma_wait3A_231 : memref<1x128x64xf32, #tpu.memory_space<vmem>> -> memref<128x64xf32, #tpu.memory_space<vmem>>
    %dma_wait3A_233 = arith.constant 0 : i32
    %dma_wait3A_234 = tpu.memref_slice %arg5[%dma_wait3A_226, %dma_wait3A_233] : memref<200x128xi32, #tpu.memory_space<vmem>> -> memref<1x128xi32, #tpu.memory_space<vmem>>
    %dma_wait3A_235 = tpu.memref_squeeze %dma_wait3A_234 : memref<1x128xi32, #tpu.memory_space<vmem>> -> memref<128xi32, #tpu.memory_space<vmem>>
    %dma_wait3A_236 = arith.constant 0 : i32
    %dma_wait3A_237 = arith.constant 0 : i32
    %dma_wait3A_238 = tpu.memref_slice %arg2[%dma_wait3A_236, %dma_wait3A_237] : memref<1000000x64xf32, #tpu.memory_space<hbm>> -> memref<1000000x64xf32, #tpu.memory_space<hbm>>
    %dma_wait3A_239 = tpu.memref_slice %arg7[%dma_wait3A_228] : memref<8x!tpu.dma_semaphore, #tpu.memory_space<semaphore_mem>> -> memref<1x!tpu.dma_semaphore, #tpu.memory_space<semaphore_mem>>
    %dma_wait3A_240 = tpu.memref_squeeze %dma_wait3A_239 : memref<1x!tpu.dma_semaphore, #tpu.memory_space<semaphore_mem>> -> memref<!tpu.dma_semaphore, #tpu.memory_space<semaphore_mem>>
    tpu.wait_indirect_dma semaphore(%dma_wait3A_240 : memref<!tpu.dma_semaphore, #tpu.memory_space<semaphore_mem>>) src(%dma_wait3A_238 : memref<1000000x64xf32, #tpu.memory_space<hbm>>) dst(%dma_wait3A_232 : memref<128x64xf32, #tpu.memory_space<vmem>>)
    %add3A_241 = arith.constant 24960 : i32
    %add3A_242 = arith.addi %mul3A_4, %add3A_241 : i32
    %dma_start3A_243 = arith.constant 3 : i32
    %dma_start3A_244 = arith.constant 3 : i32
    %dma_start3A_245 = arith.constant 0 : i32
    %dma_start3A_246 = arith.constant 0 : i32
    %dma_start3A_247 = tpu.memref_slice %arg6[%dma_start3A_243, %dma_start3A_245, %dma_start3A_246] : memref<8x128x64xf32, #tpu.memory_space<vmem>> -> memref<1x128x64xf32, #tpu.memory_space<vmem>>
    %dma_start3A_248 = tpu.memref_squeeze %dma_start3A_247 : memref<1x128x64xf32, #tpu.memory_space<vmem>> -> memref<128x64xf32, #tpu.memory_space<vmem>>
    %dma_start3A_249 = arith.constant 0 : i32
    %dma_start3A_250 = tpu.memref_slice %arg4[%add3A_242, %dma_start3A_249] : memref<819200x128xf32, #tpu.memory_space<hbm>> -> memref<128x64xf32, #tpu.memory_space<hbm>>
    %dma_start3A_251 = tpu.memref_slice %arg8[%dma_start3A_244] : memref<8x!tpu.dma_semaphore, #tpu.memory_space<semaphore_mem>> -> memref<1x!tpu.dma_semaphore, #tpu.memory_space<semaphore_mem>>
    %dma_start3A_252 = tpu.memref_squeeze %dma_start3A_251 : memref<1x!tpu.dma_semaphore, #tpu.memory_space<semaphore_mem>> -> memref<!tpu.dma_semaphore, #tpu.memory_space<semaphore_mem>>
    %dma_start3A_253 = arith.constant 0 : i32
    %dma_start3A_254 = tpu.memref_slice %arg4[%add3A_242, %dma_start3A_253] : memref<819200x128xf32, #tpu.memory_space<hbm>> -> memref<128x64xf32, #tpu.memory_space<hbm>>
    %dma_start3A_255 = arith.constant 0 : i32
    %dma_start3A_256 = arith.constant 0 : i32
    %dma_start3A_257 = tpu.memref_slice %arg6[%dma_start3A_243, %dma_start3A_255, %dma_start3A_256] : memref<8x128x64xf32, #tpu.memory_space<vmem>> -> memref<1x128x64xf32, #tpu.memory_space<vmem>>
    %dma_start3A_258 = tpu.memref_squeeze %dma_start3A_257 : memref<1x128x64xf32, #tpu.memory_space<vmem>> -> memref<128x64xf32, #tpu.memory_space<vmem>>
    tpu.enqueue_dma source(%dma_start3A_258 : memref<128x64xf32, #tpu.memory_space<vmem>>) target(%dma_start3A_254 : memref<128x64xf32, #tpu.memory_space<hbm>>) target_semaphore(%dma_start3A_252 : memref<!tpu.dma_semaphore, #tpu.memory_space<semaphore_mem>>)
    %dma_wait3A_259 = arith.constant 0 : i32
    %dma_wait3A_260 = arith.constant 4 : i32
    %dma_wait3A_261 = arith.constant 4 : i32
    %dma_wait3A_262 = arith.constant 0 : i32
    %dma_wait3A_263 = arith.constant 0 : i32
    %dma_wait3A_264 = tpu.memref_slice %arg6[%dma_wait3A_260, %dma_wait3A_262, %dma_wait3A_263] : memref<8x128x64xf32, #tpu.memory_space<vmem>> -> memref<1x128x64xf32, #tpu.memory_space<vmem>>
    %dma_wait3A_265 = tpu.memref_squeeze %dma_wait3A_264 : memref<1x128x64xf32, #tpu.memory_space<vmem>> -> memref<128x64xf32, #tpu.memory_space<vmem>>
    %dma_wait3A_266 = arith.constant 0 : i32
    %dma_wait3A_267 = tpu.memref_slice %arg5[%dma_wait3A_259, %dma_wait3A_266] : memref<200x128xi32, #tpu.memory_space<vmem>> -> memref<1x128xi32, #tpu.memory_space<vmem>>
    %dma_wait3A_268 = tpu.memref_squeeze %dma_wait3A_267 : memref<1x128xi32, #tpu.memory_space<vmem>> -> memref<128xi32, #tpu.memory_space<vmem>>
    %dma_wait3A_269 = arith.constant 0 : i32
    %dma_wait3A_270 = arith.constant 0 : i32
    %dma_wait3A_271 = tpu.memref_slice %arg2[%dma_wait3A_269, %dma_wait3A_270] : memref<1000000x64xf32, #tpu.memory_space<hbm>> -> memref<1000000x64xf32, #tpu.memory_space<hbm>>
    %dma_wait3A_272 = tpu.memref_slice %arg7[%dma_wait3A_261] : memref<8x!tpu.dma_semaphore, #tpu.memory_space<semaphore_mem>> -> memref<1x!tpu.dma_semaphore, #tpu.memory_space<semaphore_mem>>
    %dma_wait3A_273 = tpu.memref_squeeze %dma_wait3A_272 : memref<1x!tpu.dma_semaphore, #tpu.memory_space<semaphore_mem>> -> memref<!tpu.dma_semaphore, #tpu.memory_space<semaphore_mem>>
    tpu.wait_indirect_dma semaphore(%dma_wait3A_273 : memref<!tpu.dma_semaphore, #tpu.memory_space<semaphore_mem>>) src(%dma_wait3A_271 : memref<1000000x64xf32, #tpu.memory_space<hbm>>) dst(%dma_wait3A_265 : memref<128x64xf32, #tpu.memory_space<vmem>>)
    %add3A_274 = arith.constant 25088 : i32
    %add3A_275 = arith.addi %mul3A_4, %add3A_274 : i32
    %dma_start3A_276 = arith.constant 4 : i32
    %dma_start3A_277 = arith.constant 4 : i32
    %dma_start3A_278 = arith.constant 0 : i32
    %dma_start3A_279 = arith.constant 0 : i32
    %dma_start3A_280 = tpu.memref_slice %arg6[%dma_start3A_276, %dma_start3A_278, %dma_start3A_279] : memref<8x128x64xf32, #tpu.memory_space<vmem>> -> memref<1x128x64xf32, #tpu.memory_space<vmem>>
    %dma_start3A_281 = tpu.memref_squeeze %dma_start3A_280 : memref<1x128x64xf32, #tpu.memory_space<vmem>> -> memref<128x64xf32, #tpu.memory_space<vmem>>
    %dma_start3A_282 = arith.constant 0 : i32
    %dma_start3A_283 = tpu.memref_slice %arg4[%add3A_275, %dma_start3A_282] : memref<819200x128xf32, #tpu.memory_space<hbm>> -> memref<128x64xf32, #tpu.memory_space<hbm>>
    %dma_start3A_284 = tpu.memref_slice %arg8[%dma_start3A_277] : memref<8x!tpu.dma_semaphore, #tpu.memory_space<semaphore_mem>> -> memref<1x!tpu.dma_semaphore, #tpu.memory_space<semaphore_mem>>
    %dma_start3A_285 = tpu.memref_squeeze %dma_start3A_284 : memref<1x!tpu.dma_semaphore, #tpu.memory_space<semaphore_mem>> -> memref<!tpu.dma_semaphore, #tpu.memory_space<semaphore_mem>>
    %dma_start3A_286 = arith.constant 0 : i32
    %dma_start3A_287 = tpu.memref_slice %arg4[%add3A_275, %dma_start3A_286] : memref<819200x128xf32, #tpu.memory_space<hbm>> -> memref<128x64xf32, #tpu.memory_space<hbm>>
    %dma_start3A_288 = arith.constant 0 : i32
    %dma_start3A_289 = arith.constant 0 : i32
    %dma_start3A_290 = tpu.memref_slice %arg6[%dma_start3A_276, %dma_start3A_288, %dma_start3A_289] : memref<8x128x64xf32, #tpu.memory_space<vmem>> -> memref<1x128x64xf32, #tpu.memory_space<vmem>>
    %dma_start3A_291 = tpu.memref_squeeze %dma_start3A_290 : memref<1x128x64xf32, #tpu.memory_space<vmem>> -> memref<128x64xf32, #tpu.memory_space<vmem>>
    tpu.enqueue_dma source(%dma_start3A_291 : memref<128x64xf32, #tpu.memory_space<vmem>>) target(%dma_start3A_287 : memref<128x64xf32, #tpu.memory_space<hbm>>) target_semaphore(%dma_start3A_285 : memref<!tpu.dma_semaphore, #tpu.memory_space<semaphore_mem>>)
    %dma_wait3A_292 = arith.constant 0 : i32
    %dma_wait3A_293 = arith.constant 5 : i32
    %dma_wait3A_294 = arith.constant 5 : i32
    %dma_wait3A_295 = arith.constant 0 : i32
    %dma_wait3A_296 = arith.constant 0 : i32
    %dma_wait3A_297 = tpu.memref_slice %arg6[%dma_wait3A_293, %dma_wait3A_295, %dma_wait3A_296] : memref<8x128x64xf32, #tpu.memory_space<vmem>> -> memref<1x128x64xf32, #tpu.memory_space<vmem>>
    %dma_wait3A_298 = tpu.memref_squeeze %dma_wait3A_297 : memref<1x128x64xf32, #tpu.memory_space<vmem>> -> memref<128x64xf32, #tpu.memory_space<vmem>>
    %dma_wait3A_299 = arith.constant 0 : i32
    %dma_wait3A_300 = tpu.memref_slice %arg5[%dma_wait3A_292, %dma_wait3A_299] : memref<200x128xi32, #tpu.memory_space<vmem>> -> memref<1x128xi32, #tpu.memory_space<vmem>>
    %dma_wait3A_301 = tpu.memref_squeeze %dma_wait3A_300 : memref<1x128xi32, #tpu.memory_space<vmem>> -> memref<128xi32, #tpu.memory_space<vmem>>
    %dma_wait3A_302 = arith.constant 0 : i32
    %dma_wait3A_303 = arith.constant 0 : i32
    %dma_wait3A_304 = tpu.memref_slice %arg2[%dma_wait3A_302, %dma_wait3A_303] : memref<1000000x64xf32, #tpu.memory_space<hbm>> -> memref<1000000x64xf32, #tpu.memory_space<hbm>>
    %dma_wait3A_305 = tpu.memref_slice %arg7[%dma_wait3A_294] : memref<8x!tpu.dma_semaphore, #tpu.memory_space<semaphore_mem>> -> memref<1x!tpu.dma_semaphore, #tpu.memory_space<semaphore_mem>>
    %dma_wait3A_306 = tpu.memref_squeeze %dma_wait3A_305 : memref<1x!tpu.dma_semaphore, #tpu.memory_space<semaphore_mem>> -> memref<!tpu.dma_semaphore, #tpu.memory_space<semaphore_mem>>
    tpu.wait_indirect_dma semaphore(%dma_wait3A_306 : memref<!tpu.dma_semaphore, #tpu.memory_space<semaphore_mem>>) src(%dma_wait3A_304 : memref<1000000x64xf32, #tpu.memory_space<hbm>>) dst(%dma_wait3A_298 : memref<128x64xf32, #tpu.memory_space<vmem>>)
    %add3A_307 = arith.constant 25216 : i32
    %add3A_308 = arith.addi %mul3A_4, %add3A_307 : i32
    %dma_start3A_309 = arith.constant 5 : i32
    %dma_start3A_310 = arith.constant 5 : i32
    %dma_start3A_311 = arith.constant 0 : i32
    %dma_start3A_312 = arith.constant 0 : i32
    %dma_start3A_313 = tpu.memref_slice %arg6[%dma_start3A_309, %dma_start3A_311, %dma_start3A_312] : memref<8x128x64xf32, #tpu.memory_space<vmem>> -> memref<1x128x64xf32, #tpu.memory_space<vmem>>
    %dma_start3A_314 = tpu.memref_squeeze %dma_start3A_313 : memref<1x128x64xf32, #tpu.memory_space<vmem>> -> memref<128x64xf32, #tpu.memory_space<vmem>>
    %dma_start3A_315 = arith.constant 0 : i32
    %dma_start3A_316 = tpu.memref_slice %arg4[%add3A_308, %dma_start3A_315] : memref<819200x128xf32, #tpu.memory_space<hbm>> -> memref<128x64xf32, #tpu.memory_space<hbm>>
    %dma_start3A_317 = tpu.memref_slice %arg8[%dma_start3A_310] : memref<8x!tpu.dma_semaphore, #tpu.memory_space<semaphore_mem>> -> memref<1x!tpu.dma_semaphore, #tpu.memory_space<semaphore_mem>>
    %dma_start3A_318 = tpu.memref_squeeze %dma_start3A_317 : memref<1x!tpu.dma_semaphore, #tpu.memory_space<semaphore_mem>> -> memref<!tpu.dma_semaphore, #tpu.memory_space<semaphore_mem>>
    %dma_start3A_319 = arith.constant 0 : i32
    %dma_start3A_320 = tpu.memref_slice %arg4[%add3A_308, %dma_start3A_319] : memref<819200x128xf32, #tpu.memory_space<hbm>> -> memref<128x64xf32, #tpu.memory_space<hbm>>
    %dma_start3A_321 = arith.constant 0 : i32
    %dma_start3A_322 = arith.constant 0 : i32
    %dma_start3A_323 = tpu.memref_slice %arg6[%dma_start3A_309, %dma_start3A_321, %dma_start3A_322] : memref<8x128x64xf32, #tpu.memory_space<vmem>> -> memref<1x128x64xf32, #tpu.memory_space<vmem>>
    %dma_start3A_324 = tpu.memref_squeeze %dma_start3A_323 : memref<1x128x64xf32, #tpu.memory_space<vmem>> -> memref<128x64xf32, #tpu.memory_space<vmem>>
    tpu.enqueue_dma source(%dma_start3A_324 : memref<128x64xf32, #tpu.memory_space<vmem>>) target(%dma_start3A_320 : memref<128x64xf32, #tpu.memory_space<hbm>>) target_semaphore(%dma_start3A_318 : memref<!tpu.dma_semaphore, #tpu.memory_space<semaphore_mem>>)
    %dma_wait3A_325 = arith.constant 0 : i32
    %dma_wait3A_326 = arith.constant 6 : i32
    %dma_wait3A_327 = arith.constant 6 : i32
    %dma_wait3A_328 = arith.constant 0 : i32
    %dma_wait3A_329 = arith.constant 0 : i32
    %dma_wait3A_330 = tpu.memref_slice %arg6[%dma_wait3A_326, %dma_wait3A_328, %dma_wait3A_329] : memref<8x128x64xf32, #tpu.memory_space<vmem>> -> memref<1x128x64xf32, #tpu.memory_space<vmem>>
    %dma_wait3A_331 = tpu.memref_squeeze %dma_wait3A_330 : memref<1x128x64xf32, #tpu.memory_space<vmem>> -> memref<128x64xf32, #tpu.memory_space<vmem>>
    %dma_wait3A_332 = arith.constant 0 : i32
    %dma_wait3A_333 = tpu.memref_slice %arg5[%dma_wait3A_325, %dma_wait3A_332] : memref<200x128xi32, #tpu.memory_space<vmem>> -> memref<1x128xi32, #tpu.memory_space<vmem>>
    %dma_wait3A_334 = tpu.memref_squeeze %dma_wait3A_333 : memref<1x128xi32, #tpu.memory_space<vmem>> -> memref<128xi32, #tpu.memory_space<vmem>>
    %dma_wait3A_335 = arith.constant 0 : i32
    %dma_wait3A_336 = arith.constant 0 : i32
    %dma_wait3A_337 = tpu.memref_slice %arg2[%dma_wait3A_335, %dma_wait3A_336] : memref<1000000x64xf32, #tpu.memory_space<hbm>> -> memref<1000000x64xf32, #tpu.memory_space<hbm>>
    %dma_wait3A_338 = tpu.memref_slice %arg7[%dma_wait3A_327] : memref<8x!tpu.dma_semaphore, #tpu.memory_space<semaphore_mem>> -> memref<1x!tpu.dma_semaphore, #tpu.memory_space<semaphore_mem>>
    %dma_wait3A_339 = tpu.memref_squeeze %dma_wait3A_338 : memref<1x!tpu.dma_semaphore, #tpu.memory_space<semaphore_mem>> -> memref<!tpu.dma_semaphore, #tpu.memory_space<semaphore_mem>>
    tpu.wait_indirect_dma semaphore(%dma_wait3A_339 : memref<!tpu.dma_semaphore, #tpu.memory_space<semaphore_mem>>) src(%dma_wait3A_337 : memref<1000000x64xf32, #tpu.memory_space<hbm>>) dst(%dma_wait3A_331 : memref<128x64xf32, #tpu.memory_space<vmem>>)
    %add3A_340 = arith.constant 25344 : i32
    %add3A_341 = arith.addi %mul3A_4, %add3A_340 : i32
    %dma_start3A_342 = arith.constant 6 : i32
    %dma_start3A_343 = arith.constant 6 : i32
    %dma_start3A_344 = arith.constant 0 : i32
    %dma_start3A_345 = arith.constant 0 : i32
    %dma_start3A_346 = tpu.memref_slice %arg6[%dma_start3A_342, %dma_start3A_344, %dma_start3A_345] : memref<8x128x64xf32, #tpu.memory_space<vmem>> -> memref<1x128x64xf32, #tpu.memory_space<vmem>>
    %dma_start3A_347 = tpu.memref_squeeze %dma_start3A_346 : memref<1x128x64xf32, #tpu.memory_space<vmem>> -> memref<128x64xf32, #tpu.memory_space<vmem>>
    %dma_start3A_348 = arith.constant 0 : i32
    %dma_start3A_349 = tpu.memref_slice %arg4[%add3A_341, %dma_start3A_348] : memref<819200x128xf32, #tpu.memory_space<hbm>> -> memref<128x64xf32, #tpu.memory_space<hbm>>
    %dma_start3A_350 = tpu.memref_slice %arg8[%dma_start3A_343] : memref<8x!tpu.dma_semaphore, #tpu.memory_space<semaphore_mem>> -> memref<1x!tpu.dma_semaphore, #tpu.memory_space<semaphore_mem>>
    %dma_start3A_351 = tpu.memref_squeeze %dma_start3A_350 : memref<1x!tpu.dma_semaphore, #tpu.memory_space<semaphore_mem>> -> memref<!tpu.dma_semaphore, #tpu.memory_space<semaphore_mem>>
    %dma_start3A_352 = arith.constant 0 : i32
    %dma_start3A_353 = tpu.memref_slice %arg4[%add3A_341, %dma_start3A_352] : memref<819200x128xf32, #tpu.memory_space<hbm>> -> memref<128x64xf32, #tpu.memory_space<hbm>>
    %dma_start3A_354 = arith.constant 0 : i32
    %dma_start3A_355 = arith.constant 0 : i32
    %dma_start3A_356 = tpu.memref_slice %arg6[%dma_start3A_342, %dma_start3A_354, %dma_start3A_355] : memref<8x128x64xf32, #tpu.memory_space<vmem>> -> memref<1x128x64xf32, #tpu.memory_space<vmem>>
    %dma_start3A_357 = tpu.memref_squeeze %dma_start3A_356 : memref<1x128x64xf32, #tpu.memory_space<vmem>> -> memref<128x64xf32, #tpu.memory_space<vmem>>
    tpu.enqueue_dma source(%dma_start3A_357 : memref<128x64xf32, #tpu.memory_space<vmem>>) target(%dma_start3A_353 : memref<128x64xf32, #tpu.memory_space<hbm>>) target_semaphore(%dma_start3A_351 : memref<!tpu.dma_semaphore, #tpu.memory_space<semaphore_mem>>)
    %dma_wait3A_358 = arith.constant 0 : i32
    %dma_wait3A_359 = arith.constant 7 : i32
    %dma_wait3A_360 = arith.constant 7 : i32
    %dma_wait3A_361 = arith.constant 0 : i32
    %dma_wait3A_362 = arith.constant 0 : i32
    %dma_wait3A_363 = tpu.memref_slice %arg6[%dma_wait3A_359, %dma_wait3A_361, %dma_wait3A_362] : memref<8x128x64xf32, #tpu.memory_space<vmem>> -> memref<1x128x64xf32, #tpu.memory_space<vmem>>
    %dma_wait3A_364 = tpu.memref_squeeze %dma_wait3A_363 : memref<1x128x64xf32, #tpu.memory_space<vmem>> -> memref<128x64xf32, #tpu.memory_space<vmem>>
    %dma_wait3A_365 = arith.constant 0 : i32
    %dma_wait3A_366 = tpu.memref_slice %arg5[%dma_wait3A_358, %dma_wait3A_365] : memref<200x128xi32, #tpu.memory_space<vmem>> -> memref<1x128xi32, #tpu.memory_space<vmem>>
    %dma_wait3A_367 = tpu.memref_squeeze %dma_wait3A_366 : memref<1x128xi32, #tpu.memory_space<vmem>> -> memref<128xi32, #tpu.memory_space<vmem>>
    %dma_wait3A_368 = arith.constant 0 : i32
    %dma_wait3A_369 = arith.constant 0 : i32
    %dma_wait3A_370 = tpu.memref_slice %arg2[%dma_wait3A_368, %dma_wait3A_369] : memref<1000000x64xf32, #tpu.memory_space<hbm>> -> memref<1000000x64xf32, #tpu.memory_space<hbm>>
    %dma_wait3A_371 = tpu.memref_slice %arg7[%dma_wait3A_360] : memref<8x!tpu.dma_semaphore, #tpu.memory_space<semaphore_mem>> -> memref<1x!tpu.dma_semaphore, #tpu.memory_space<semaphore_mem>>
    %dma_wait3A_372 = tpu.memref_squeeze %dma_wait3A_371 : memref<1x!tpu.dma_semaphore, #tpu.memory_space<semaphore_mem>> -> memref<!tpu.dma_semaphore, #tpu.memory_space<semaphore_mem>>
    tpu.wait_indirect_dma semaphore(%dma_wait3A_372 : memref<!tpu.dma_semaphore, #tpu.memory_space<semaphore_mem>>) src(%dma_wait3A_370 : memref<1000000x64xf32, #tpu.memory_space<hbm>>) dst(%dma_wait3A_364 : memref<128x64xf32, #tpu.memory_space<vmem>>)
    %add3A_373 = arith.constant 25472 : i32
    %add3A_374 = arith.addi %mul3A_4, %add3A_373 : i32
    %dma_start3A_375 = arith.constant 7 : i32
    %dma_start3A_376 = arith.constant 7 : i32
    %dma_start3A_377 = arith.constant 0 : i32
    %dma_start3A_378 = arith.constant 0 : i32
    %dma_start3A_379 = tpu.memref_slice %arg6[%dma_start3A_375, %dma_start3A_377, %dma_start3A_378] : memref<8x128x64xf32, #tpu.memory_space<vmem>> -> memref<1x128x64xf32, #tpu.memory_space<vmem>>
    %dma_start3A_380 = tpu.memref_squeeze %dma_start3A_379 : memref<1x128x64xf32, #tpu.memory_space<vmem>> -> memref<128x64xf32, #tpu.memory_space<vmem>>
    %dma_start3A_381 = arith.constant 0 : i32
    %dma_start3A_382 = tpu.memref_slice %arg4[%add3A_374, %dma_start3A_381] : memref<819200x128xf32, #tpu.memory_space<hbm>> -> memref<128x64xf32, #tpu.memory_space<hbm>>
    %dma_start3A_383 = tpu.memref_slice %arg8[%dma_start3A_376] : memref<8x!tpu.dma_semaphore, #tpu.memory_space<semaphore_mem>> -> memref<1x!tpu.dma_semaphore, #tpu.memory_space<semaphore_mem>>
    %dma_start3A_384 = tpu.memref_squeeze %dma_start3A_383 : memref<1x!tpu.dma_semaphore, #tpu.memory_space<semaphore_mem>> -> memref<!tpu.dma_semaphore, #tpu.memory_space<semaphore_mem>>
    %dma_start3A_385 = arith.constant 0 : i32
    %dma_start3A_386 = tpu.memref_slice %arg4[%add3A_374, %dma_start3A_385] : memref<819200x128xf32, #tpu.memory_space<hbm>> -> memref<128x64xf32, #tpu.memory_space<hbm>>
    %dma_start3A_387 = arith.constant 0 : i32
    %dma_start3A_388 = arith.constant 0 : i32
    %dma_start3A_389 = tpu.memref_slice %arg6[%dma_start3A_375, %dma_start3A_387, %dma_start3A_388] : memref<8x128x64xf32, #tpu.memory_space<vmem>> -> memref<1x128x64xf32, #tpu.memory_space<vmem>>
    %dma_start3A_390 = tpu.memref_squeeze %dma_start3A_389 : memref<1x128x64xf32, #tpu.memory_space<vmem>> -> memref<128x64xf32, #tpu.memory_space<vmem>>
    tpu.enqueue_dma source(%dma_start3A_390 : memref<128x64xf32, #tpu.memory_space<vmem>>) target(%dma_start3A_386 : memref<128x64xf32, #tpu.memory_space<hbm>>) target_semaphore(%dma_start3A_384 : memref<!tpu.dma_semaphore, #tpu.memory_space<semaphore_mem>>)
    %dma_wait3A_391 = arith.constant 0 : i32
    %dma_wait3A_392 = arith.constant 0 : i32
    %dma_wait3A_393 = arith.constant 0 : i32
    %dma_wait3A_394 = arith.constant 0 : i32
    %dma_wait3A_395 = tpu.memref_slice %arg6[%dma_wait3A_391, %dma_wait3A_393, %dma_wait3A_394] : memref<8x128x64xf32, #tpu.memory_space<vmem>> -> memref<1x128x64xf32, #tpu.memory_space<vmem>>
    %dma_wait3A_396 = tpu.memref_squeeze %dma_wait3A_395 : memref<1x128x64xf32, #tpu.memory_space<vmem>> -> memref<128x64xf32, #tpu.memory_space<vmem>>
    %dma_wait3A_397 = arith.constant 0 : i32
    %dma_wait3A_398 = tpu.memref_slice %arg4[%mul3A_4, %dma_wait3A_397] : memref<819200x128xf32, #tpu.memory_space<hbm>> -> memref<128x64xf32, #tpu.memory_space<hbm>>
    %dma_wait3A_399 = tpu.memref_slice %arg8[%dma_wait3A_392] : memref<8x!tpu.dma_semaphore, #tpu.memory_space<semaphore_mem>> -> memref<1x!tpu.dma_semaphore, #tpu.memory_space<semaphore_mem>>
    %dma_wait3A_400 = tpu.memref_squeeze %dma_wait3A_399 : memref<1x!tpu.dma_semaphore, #tpu.memory_space<semaphore_mem>> -> memref<!tpu.dma_semaphore, #tpu.memory_space<semaphore_mem>>
    %dma_wait3A_401 = arith.constant 0 : i32
    %dma_wait3A_402 = tpu.memref_slice %arg4[%mul3A_4, %dma_wait3A_401] : memref<819200x128xf32, #tpu.memory_space<hbm>> -> memref<128x64xf32, #tpu.memory_space<hbm>>
    %dma_wait3A_403 = arith.constant 0 : i32
    %dma_wait3A_404 = arith.constant 0 : i32
    %dma_wait3A_405 = tpu.memref_slice %arg6[%dma_wait3A_391, %dma_wait3A_403, %dma_wait3A_404] : memref<8x128x64xf32, #tpu.memory_space<vmem>> -> memref<1x128x64xf32, #tpu.memory_space<vmem>>
    %dma_wait3A_406 = tpu.memref_squeeze %dma_wait3A_405 : memref<1x128x64xf32, #tpu.memory_space<vmem>> -> memref<128x64xf32, #tpu.memory_space<vmem>>
    tpu.wait_dma2 semaphore(%dma_wait3A_400 : memref<!tpu.dma_semaphore, #tpu.memory_space<semaphore_mem>>) src(%dma_wait3A_406 : memref<128x64xf32, #tpu.memory_space<vmem>>) dst(%dma_wait3A_402 : memref<128x64xf32, #tpu.memory_space<hbm>>)
    %dma_wait3A_407 = arith.constant 1 : i32
    %dma_wait3A_408 = arith.constant 1 : i32
    %dma_wait3A_409 = arith.constant 0 : i32
    %dma_wait3A_410 = arith.constant 0 : i32
    %dma_wait3A_411 = tpu.memref_slice %arg6[%dma_wait3A_407, %dma_wait3A_409, %dma_wait3A_410] : memref<8x128x64xf32, #tpu.memory_space<vmem>> -> memref<1x128x64xf32, #tpu.memory_space<vmem>>
    %dma_wait3A_412 = tpu.memref_squeeze %dma_wait3A_411 : memref<1x128x64xf32, #tpu.memory_space<vmem>> -> memref<128x64xf32, #tpu.memory_space<vmem>>
    %dma_wait3A_413 = arith.constant 0 : i32
    %dma_wait3A_414 = tpu.memref_slice %arg4[%mul3A_4, %dma_wait3A_413] : memref<819200x128xf32, #tpu.memory_space<hbm>> -> memref<128x64xf32, #tpu.memory_space<hbm>>
    %dma_wait3A_415 = tpu.memref_slice %arg8[%dma_wait3A_408] : memref<8x!tpu.dma_semaphore, #tpu.memory_space<semaphore_mem>> -> memref<1x!tpu.dma_semaphore, #tpu.memory_space<semaphore_mem>>
    %dma_wait3A_416 = tpu.memref_squeeze %dma_wait3A_415 : memref<1x!tpu.dma_semaphore, #tpu.memory_space<semaphore_mem>> -> memref<!tpu.dma_semaphore, #tpu.memory_space<semaphore_mem>>
    %dma_wait3A_417 = arith.constant 0 : i32
    %dma_wait3A_418 = tpu.memref_slice %arg4[%mul3A_4, %dma_wait3A_417] : memref<819200x128xf32, #tpu.memory_space<hbm>> -> memref<128x64xf32, #tpu.memory_space<hbm>>
    %dma_wait3A_419 = arith.constant 0 : i32
    %dma_wait3A_420 = arith.constant 0 : i32
    %dma_wait3A_421 = tpu.memref_slice %arg6[%dma_wait3A_407, %dma_wait3A_419, %dma_wait3A_420] : memref<8x128x64xf32, #tpu.memory_space<vmem>> -> memref<1x128x64xf32, #tpu.memory_space<vmem>>
    %dma_wait3A_422 = tpu.memref_squeeze %dma_wait3A_421 : memref<1x128x64xf32, #tpu.memory_space<vmem>> -> memref<128x64xf32, #tpu.memory_space<vmem>>
    tpu.wait_dma2 semaphore(%dma_wait3A_416 : memref<!tpu.dma_semaphore, #tpu.memory_space<semaphore_mem>>) src(%dma_wait3A_422 : memref<128x64xf32, #tpu.memory_space<vmem>>) dst(%dma_wait3A_418 : memref<128x64xf32, #tpu.memory_space<hbm>>)
    %dma_wait3A_423 = arith.constant 2 : i32
    %dma_wait3A_424 = arith.constant 2 : i32
    %dma_wait3A_425 = arith.constant 0 : i32
    %dma_wait3A_426 = arith.constant 0 : i32
    %dma_wait3A_427 = tpu.memref_slice %arg6[%dma_wait3A_423, %dma_wait3A_425, %dma_wait3A_426] : memref<8x128x64xf32, #tpu.memory_space<vmem>> -> memref<1x128x64xf32, #tpu.memory_space<vmem>>
    %dma_wait3A_428 = tpu.memref_squeeze %dma_wait3A_427 : memref<1x128x64xf32, #tpu.memory_space<vmem>> -> memref<128x64xf32, #tpu.memory_space<vmem>>
    %dma_wait3A_429 = arith.constant 0 : i32
    %dma_wait3A_430 = tpu.memref_slice %arg4[%mul3A_4, %dma_wait3A_429] : memref<819200x128xf32, #tpu.memory_space<hbm>> -> memref<128x64xf32, #tpu.memory_space<hbm>>
    %dma_wait3A_431 = tpu.memref_slice %arg8[%dma_wait3A_424] : memref<8x!tpu.dma_semaphore, #tpu.memory_space<semaphore_mem>> -> memref<1x!tpu.dma_semaphore, #tpu.memory_space<semaphore_mem>>
    %dma_wait3A_432 = tpu.memref_squeeze %dma_wait3A_431 : memref<1x!tpu.dma_semaphore, #tpu.memory_space<semaphore_mem>> -> memref<!tpu.dma_semaphore, #tpu.memory_space<semaphore_mem>>
    %dma_wait3A_433 = arith.constant 0 : i32
    %dma_wait3A_434 = tpu.memref_slice %arg4[%mul3A_4, %dma_wait3A_433] : memref<819200x128xf32, #tpu.memory_space<hbm>> -> memref<128x64xf32, #tpu.memory_space<hbm>>
    %dma_wait3A_435 = arith.constant 0 : i32
    %dma_wait3A_436 = arith.constant 0 : i32
    %dma_wait3A_437 = tpu.memref_slice %arg6[%dma_wait3A_423, %dma_wait3A_435, %dma_wait3A_436] : memref<8x128x64xf32, #tpu.memory_space<vmem>> -> memref<1x128x64xf32, #tpu.memory_space<vmem>>
    %dma_wait3A_438 = tpu.memref_squeeze %dma_wait3A_437 : memref<1x128x64xf32, #tpu.memory_space<vmem>> -> memref<128x64xf32, #tpu.memory_space<vmem>>
    tpu.wait_dma2 semaphore(%dma_wait3A_432 : memref<!tpu.dma_semaphore, #tpu.memory_space<semaphore_mem>>) src(%dma_wait3A_438 : memref<128x64xf32, #tpu.memory_space<vmem>>) dst(%dma_wait3A_434 : memref<128x64xf32, #tpu.memory_space<hbm>>)
    %dma_wait3A_439 = arith.constant 3 : i32
    %dma_wait3A_440 = arith.constant 3 : i32
    %dma_wait3A_441 = arith.constant 0 : i32
    %dma_wait3A_442 = arith.constant 0 : i32
    %dma_wait3A_443 = tpu.memref_slice %arg6[%dma_wait3A_439, %dma_wait3A_441, %dma_wait3A_442] : memref<8x128x64xf32, #tpu.memory_space<vmem>> -> memref<1x128x64xf32, #tpu.memory_space<vmem>>
    %dma_wait3A_444 = tpu.memref_squeeze %dma_wait3A_443 : memref<1x128x64xf32, #tpu.memory_space<vmem>> -> memref<128x64xf32, #tpu.memory_space<vmem>>
    %dma_wait3A_445 = arith.constant 0 : i32
    %dma_wait3A_446 = tpu.memref_slice %arg4[%mul3A_4, %dma_wait3A_445] : memref<819200x128xf32, #tpu.memory_space<hbm>> -> memref<128x64xf32, #tpu.memory_space<hbm>>
    %dma_wait3A_447 = tpu.memref_slice %arg8[%dma_wait3A_440] : memref<8x!tpu.dma_semaphore, #tpu.memory_space<semaphore_mem>> -> memref<1x!tpu.dma_semaphore, #tpu.memory_space<semaphore_mem>>
    %dma_wait3A_448 = tpu.memref_squeeze %dma_wait3A_447 : memref<1x!tpu.dma_semaphore, #tpu.memory_space<semaphore_mem>> -> memref<!tpu.dma_semaphore, #tpu.memory_space<semaphore_mem>>
    %dma_wait3A_449 = arith.constant 0 : i32
    %dma_wait3A_450 = tpu.memref_slice %arg4[%mul3A_4, %dma_wait3A_449] : memref<819200x128xf32, #tpu.memory_space<hbm>> -> memref<128x64xf32, #tpu.memory_space<hbm>>
    %dma_wait3A_451 = arith.constant 0 : i32
    %dma_wait3A_452 = arith.constant 0 : i32
    %dma_wait3A_453 = tpu.memref_slice %arg6[%dma_wait3A_439, %dma_wait3A_451, %dma_wait3A_452] : memref<8x128x64xf32, #tpu.memory_space<vmem>> -> memref<1x128x64xf32, #tpu.memory_space<vmem>>
    %dma_wait3A_454 = tpu.memref_squeeze %dma_wait3A_453 : memref<1x128x64xf32, #tpu.memory_space<vmem>> -> memref<128x64xf32, #tpu.memory_space<vmem>>
    tpu.wait_dma2 semaphore(%dma_wait3A_448 : memref<!tpu.dma_semaphore, #tpu.memory_space<semaphore_mem>>) src(%dma_wait3A_454 : memref<128x64xf32, #tpu.memory_space<vmem>>) dst(%dma_wait3A_450 : memref<128x64xf32, #tpu.memory_space<hbm>>)
    %dma_wait3A_455 = arith.constant 4 : i32
    %dma_wait3A_456 = arith.constant 4 : i32
    %dma_wait3A_457 = arith.constant 0 : i32
    %dma_wait3A_458 = arith.constant 0 : i32
    %dma_wait3A_459 = tpu.memref_slice %arg6[%dma_wait3A_455, %dma_wait3A_457, %dma_wait3A_458] : memref<8x128x64xf32, #tpu.memory_space<vmem>> -> memref<1x128x64xf32, #tpu.memory_space<vmem>>
    %dma_wait3A_460 = tpu.memref_squeeze %dma_wait3A_459 : memref<1x128x64xf32, #tpu.memory_space<vmem>> -> memref<128x64xf32, #tpu.memory_space<vmem>>
    %dma_wait3A_461 = arith.constant 0 : i32
    %dma_wait3A_462 = tpu.memref_slice %arg4[%mul3A_4, %dma_wait3A_461] : memref<819200x128xf32, #tpu.memory_space<hbm>> -> memref<128x64xf32, #tpu.memory_space<hbm>>
    %dma_wait3A_463 = tpu.memref_slice %arg8[%dma_wait3A_456] : memref<8x!tpu.dma_semaphore, #tpu.memory_space<semaphore_mem>> -> memref<1x!tpu.dma_semaphore, #tpu.memory_space<semaphore_mem>>
    %dma_wait3A_464 = tpu.memref_squeeze %dma_wait3A_463 : memref<1x!tpu.dma_semaphore, #tpu.memory_space<semaphore_mem>> -> memref<!tpu.dma_semaphore, #tpu.memory_space<semaphore_mem>>
    %dma_wait3A_465 = arith.constant 0 : i32
    %dma_wait3A_466 = tpu.memref_slice %arg4[%mul3A_4, %dma_wait3A_465] : memref<819200x128xf32, #tpu.memory_space<hbm>> -> memref<128x64xf32, #tpu.memory_space<hbm>>
    %dma_wait3A_467 = arith.constant 0 : i32
    %dma_wait3A_468 = arith.constant 0 : i32
    %dma_wait3A_469 = tpu.memref_slice %arg6[%dma_wait3A_455, %dma_wait3A_467, %dma_wait3A_468] : memref<8x128x64xf32, #tpu.memory_space<vmem>> -> memref<1x128x64xf32, #tpu.memory_space<vmem>>
    %dma_wait3A_470 = tpu.memref_squeeze %dma_wait3A_469 : memref<1x128x64xf32, #tpu.memory_space<vmem>> -> memref<128x64xf32, #tpu.memory_space<vmem>>
    tpu.wait_dma2 semaphore(%dma_wait3A_464 : memref<!tpu.dma_semaphore, #tpu.memory_space<semaphore_mem>>) src(%dma_wait3A_470 : memref<128x64xf32, #tpu.memory_space<vmem>>) dst(%dma_wait3A_466 : memref<128x64xf32, #tpu.memory_space<hbm>>)
    %dma_wait3A_471 = arith.constant 5 : i32
    %dma_wait3A_472 = arith.constant 5 : i32
    %dma_wait3A_473 = arith.constant 0 : i32
    %dma_wait3A_474 = arith.constant 0 : i32
    %dma_wait3A_475 = tpu.memref_slice %arg6[%dma_wait3A_471, %dma_wait3A_473, %dma_wait3A_474] : memref<8x128x64xf32, #tpu.memory_space<vmem>> -> memref<1x128x64xf32, #tpu.memory_space<vmem>>
    %dma_wait3A_476 = tpu.memref_squeeze %dma_wait3A_475 : memref<1x128x64xf32, #tpu.memory_space<vmem>> -> memref<128x64xf32, #tpu.memory_space<vmem>>
    %dma_wait3A_477 = arith.constant 0 : i32
    %dma_wait3A_478 = tpu.memref_slice %arg4[%mul3A_4, %dma_wait3A_477] : memref<819200x128xf32, #tpu.memory_space<hbm>> -> memref<128x64xf32, #tpu.memory_space<hbm>>
    %dma_wait3A_479 = tpu.memref_slice %arg8[%dma_wait3A_472] : memref<8x!tpu.dma_semaphore, #tpu.memory_space<semaphore_mem>> -> memref<1x!tpu.dma_semaphore, #tpu.memory_space<semaphore_mem>>
    %dma_wait3A_480 = tpu.memref_squeeze %dma_wait3A_479 : memref<1x!tpu.dma_semaphore, #tpu.memory_space<semaphore_mem>> -> memref<!tpu.dma_semaphore, #tpu.memory_space<semaphore_mem>>
    %dma_wait3A_481 = arith.constant 0 : i32
    %dma_wait3A_482 = tpu.memref_slice %arg4[%mul3A_4, %dma_wait3A_481] : memref<819200x128xf32, #tpu.memory_space<hbm>> -> memref<128x64xf32, #tpu.memory_space<hbm>>
    %dma_wait3A_483 = arith.constant 0 : i32
    %dma_wait3A_484 = arith.constant 0 : i32
    %dma_wait3A_485 = tpu.memref_slice %arg6[%dma_wait3A_471, %dma_wait3A_483, %dma_wait3A_484] : memref<8x128x64xf32, #tpu.memory_space<vmem>> -> memref<1x128x64xf32, #tpu.memory_space<vmem>>
    %dma_wait3A_486 = tpu.memref_squeeze %dma_wait3A_485 : memref<1x128x64xf32, #tpu.memory_space<vmem>> -> memref<128x64xf32, #tpu.memory_space<vmem>>
    tpu.wait_dma2 semaphore(%dma_wait3A_480 : memref<!tpu.dma_semaphore, #tpu.memory_space<semaphore_mem>>) src(%dma_wait3A_486 : memref<128x64xf32, #tpu.memory_space<vmem>>) dst(%dma_wait3A_482 : memref<128x64xf32, #tpu.memory_space<hbm>>)
    %dma_wait3A_487 = arith.constant 6 : i32
    %dma_wait3A_488 = arith.constant 6 : i32
    %dma_wait3A_489 = arith.constant 0 : i32
    %dma_wait3A_490 = arith.constant 0 : i32
    %dma_wait3A_491 = tpu.memref_slice %arg6[%dma_wait3A_487, %dma_wait3A_489, %dma_wait3A_490] : memref<8x128x64xf32, #tpu.memory_space<vmem>> -> memref<1x128x64xf32, #tpu.memory_space<vmem>>
    %dma_wait3A_492 = tpu.memref_squeeze %dma_wait3A_491 : memref<1x128x64xf32, #tpu.memory_space<vmem>> -> memref<128x64xf32, #tpu.memory_space<vmem>>
    %dma_wait3A_493 = arith.constant 0 : i32
    %dma_wait3A_494 = tpu.memref_slice %arg4[%mul3A_4, %dma_wait3A_493] : memref<819200x128xf32, #tpu.memory_space<hbm>> -> memref<128x64xf32, #tpu.memory_space<hbm>>
    %dma_wait3A_495 = tpu.memref_slice %arg8[%dma_wait3A_488] : memref<8x!tpu.dma_semaphore, #tpu.memory_space<semaphore_mem>> -> memref<1x!tpu.dma_semaphore, #tpu.memory_space<semaphore_mem>>
    %dma_wait3A_496 = tpu.memref_squeeze %dma_wait3A_495 : memref<1x!tpu.dma_semaphore, #tpu.memory_space<semaphore_mem>> -> memref<!tpu.dma_semaphore, #tpu.memory_space<semaphore_mem>>
    %dma_wait3A_497 = arith.constant 0 : i32
    %dma_wait3A_498 = tpu.memref_slice %arg4[%mul3A_4, %dma_wait3A_497] : memref<819200x128xf32, #tpu.memory_space<hbm>> -> memref<128x64xf32, #tpu.memory_space<hbm>>
    %dma_wait3A_499 = arith.constant 0 : i32
    %dma_wait3A_500 = arith.constant 0 : i32
    %dma_wait3A_501 = tpu.memref_slice %arg6[%dma_wait3A_487, %dma_wait3A_499, %dma_wait3A_500] : memref<8x128x64xf32, #tpu.memory_space<vmem>> -> memref<1x128x64xf32, #tpu.memory_space<vmem>>
    %dma_wait3A_502 = tpu.memref_squeeze %dma_wait3A_501 : memref<1x128x64xf32, #tpu.memory_space<vmem>> -> memref<128x64xf32, #tpu.memory_space<vmem>>
    tpu.wait_dma2 semaphore(%dma_wait3A_496 : memref<!tpu.dma_semaphore, #tpu.memory_space<semaphore_mem>>) src(%dma_wait3A_502 : memref<128x64xf32, #tpu.memory_space<vmem>>) dst(%dma_wait3A_498 : memref<128x64xf32, #tpu.memory_space<hbm>>)
    %dma_wait3A_503 = arith.constant 7 : i32
    %dma_wait3A_504 = arith.constant 7 : i32
    %dma_wait3A_505 = arith.constant 0 : i32
    %dma_wait3A_506 = arith.constant 0 : i32
    %dma_wait3A_507 = tpu.memref_slice %arg6[%dma_wait3A_503, %dma_wait3A_505, %dma_wait3A_506] : memref<8x128x64xf32, #tpu.memory_space<vmem>> -> memref<1x128x64xf32, #tpu.memory_space<vmem>>
    %dma_wait3A_508 = tpu.memref_squeeze %dma_wait3A_507 : memref<1x128x64xf32, #tpu.memory_space<vmem>> -> memref<128x64xf32, #tpu.memory_space<vmem>>
    %dma_wait3A_509 = arith.constant 0 : i32
    %dma_wait3A_510 = tpu.memref_slice %arg4[%mul3A_4, %dma_wait3A_509] : memref<819200x128xf32, #tpu.memory_space<hbm>> -> memref<128x64xf32, #tpu.memory_space<hbm>>
    %dma_wait3A_511 = tpu.memref_slice %arg8[%dma_wait3A_504] : memref<8x!tpu.dma_semaphore, #tpu.memory_space<semaphore_mem>> -> memref<1x!tpu.dma_semaphore, #tpu.memory_space<semaphore_mem>>
    %dma_wait3A_512 = tpu.memref_squeeze %dma_wait3A_511 : memref<1x!tpu.dma_semaphore, #tpu.memory_space<semaphore_mem>> -> memref<!tpu.dma_semaphore, #tpu.memory_space<semaphore_mem>>
    %dma_wait3A_513 = arith.constant 0 : i32
    %dma_wait3A_514 = tpu.memref_slice %arg4[%mul3A_4, %dma_wait3A_513] : memref<819200x128xf32, #tpu.memory_space<hbm>> -> memref<128x64xf32, #tpu.memory_space<hbm>>
    %dma_wait3A_515 = arith.constant 0 : i32
    %dma_wait3A_516 = arith.constant 0 : i32
    %dma_wait3A_517 = tpu.memref_slice %arg6[%dma_wait3A_503, %dma_wait3A_515, %dma_wait3A_516] : memref<8x128x64xf32, #tpu.memory_space<vmem>> -> memref<1x128x64xf32, #tpu.memory_space<vmem>>
    %dma_wait3A_518 = tpu.memref_squeeze %dma_wait3A_517 : memref<1x128x64xf32, #tpu.memory_space<vmem>> -> memref<128x64xf32, #tpu.memory_space<vmem>>
    tpu.wait_dma2 semaphore(%dma_wait3A_512 : memref<!tpu.dma_semaphore, #tpu.memory_space<semaphore_mem>>) src(%dma_wait3A_518 : memref<128x64xf32, #tpu.memory_space<vmem>>) dst(%dma_wait3A_514 : memref<128x64xf32, #tpu.memory_space<hbm>>)
    return
  }
}

</mosaic_0001>

<sc_bundles>
// kernel: kernel.3.cloned.1.call-start
scs
__scs_entry_jumppad:
0x0: {  	(pc) =	sbr.rel $0x88, $3  }
0x1: {  	(tag) =	ssettag $0x0;
	lr =	simm.s32 $0x1  }
0x2: {  	[smem:$0x3F9F] =	sst lr;
	_ =	strace $0xD0000000  }
0x3: {  	_ = 	snop  }
0x4: {  	_ = 	snop  }
0x5: {  	_ = 	snop  }
0x6: {  	_ = 	snop  }
0x7: {  	_ = 	snop  }
__scs_overlays_trampoline_lowered:
0x8: {  	[smem:$0x3FAE] =	sst s0  }
0x9: {  	[smem:$0x3FAF] =	sst s1  }
0xa: {  	[smem:$0x3FB0] =	sst s2  }
0xb: {  	[smem:$0x3FB1] =	sst s3  }
0xc: {  	[smem:$0x3FB2] =	sst s4  }
0xd: {  	[smem:$0x3FB3] =	sst s5  }
0xe: {  	[smem:$0x3FB4] =	sst s6  }
0xf: {  	[smem:$0x3FB5] =	sst s7  }
0x10: {  	[smem:$0x3FB6] =	sst s8  }
0x11: {  	[smem:$0x3FB7] =	sst s9;
	s0 =	simm.s32 @!p0 $0x0  }
0x12: {  	s1 =	sld [smem:$0x3F9D];
	s0 =	simm.s32 @p0 $0x1  }
0x13: {  	[smem:$0x3FB8] =	sst s0;
	s0 =	simm.s32 @!p1 $0x0  }
0x14: {  	s2 =	sld [smem:$0x3F9C];
	s0 =	simm.s32 @p1 $0x1  }
0x15: {  	[smem:$0x3FB9] =	sst s0;
	s0 =	simm.s32 @!p2 $0x0  }
0x16: {  	s3 =	sld [smem:$0x3FDB];
	s0 =	simm.s32 @p2 $0x1  }
0x17: {  	s4 =	simm.s32 $0x1BF5;
	[smem:$0x3FBB] =	sst s0  }
0x18: {  	s0 =	sld [smem:$0x3F9E];
	_ =	swait.ge [sflag:s4], $0x0  }
0x19: {  	s7 =	sld [smem:$0x3F9F]  }
0x1a: {  	s8 =	sadd.s32 $0xFFFFE003, lr  }
0x1b: {  	s9 =	sadd.s32 $0xFFFFFEF7, lr;
	s5 =	simm.s32 $0xFFFFFFFF;
	p2 =	slt.u32 s8, $0xFFFFF086  }
0x1c: {  	p1 =	slt.u32 s9, $0xF7A;
	s5 =	simm.s32 @!p2 $0x0  }
0x1d: {  	s5 =	simm.s32 @p1 $0x1;
	p0 =	seq.s32 s7, s2  }
0x1e: {  	s7 =	smul.u32 @!p0 $0xF7A, s2;
	p2 =	seq.s32 @!p0 s5, $0x0  }
0x1f: {  	s9 =	smul.u32 $0xF7A, s1;
	s8 =	simm.s32 @!p0 $0x1BF5;
	p2 =	por !p2, p0  }
0x20: {  	[sflag:s8] =	ssyncset.s32 @!p0 $0xFFFFF086;
	s6 =	sadd.s32 @!p0 s3, s7;
	s7 =	simm.s32 @!p0 $0x108  }
0x21: {  	s3 =	sadd.s32 s3, s9;
	s6 =	sadd.s32 @!p0 $0x88, s6;
	s7 =	simm.s32 @p2 $0x1082  }
0x22: {  	[simem:s7], [sflag:s8] =	dma.local @!p0 [hbm:s6], $0xF7A  }
0x23: {  	s9 =	sor.u32 $0xD0000000, s2;
	s6 =	simm.s32 $0x108;
	_ =	swait.ge @!p0 [sflag:s8], $0x0  }
0x24: {  	s3 =	sadd.s32 $0x88, s3;
	s6 =	simm.s32 @!p1 $0x1082;
	[sflag:s4] =	ssyncset.s32 $0xFFFFF086  }
0x25: {  	[simem:s6], [sflag:s4] =	dma.local [hbm:s3], $0xF7A  }
0x26: {  	[smem:$0x3F9F] =	sst s1;
	(tag) =	ssettag s2;
	_ =	strace s9  }
0x27: {  	s1 =	sld [smem:$0x3FAF]  }
0x28: {  	s2 =	sld [smem:$0x3FB0]  }
0x29: {  	s4 =	sld [smem:$0x3FB2]  }
0x2a: {  	p0 =	seq.s32 s5, $0x0;
	s5 =	sld [smem:$0x3FB3]  }
0x2b: {  	s6 =	sld [smem:$0x3FB4]  }
0x2c: {  	s7 =	sld [smem:$0x3FB5]  }
0x2d: {  	s3 =	simm.s32 $0x108;
	s8 =	sld [smem:$0x3FB6]  }
0x2e: {  	s3 =	simm.s32 @!p0 $0x1082;
	s9 =	sld [smem:$0x3FB7]  }
0x2f: {  	lr =	sadd.s32 s0, s3;
	s0 =	sld [smem:$0x3FAE]  }
0x30: {  	s3 =	sld [smem:$0x3FB1]  }
0x31: {  	[smem:$0x3FBA] =	sst s10  }
0x32: {  	s10 =	sld [smem:$0x3FB8];
	_ =	sdelay $0x3  }
0x33: {  	p0 =	seq.s32 s10, $0x1;
	s10 =	sld [smem:$0x3FBA];
	_ =	sdelay $0x3  }
0x34: {  	[smem:$0x3FBA] =	sst s10  }
0x35: {  	s10 =	sld [smem:$0x3FB9];
	_ =	sdelay $0x3  }
0x36: {  	p1 =	seq.s32 s10, $0x1;
	s10 =	sld [smem:$0x3FBA];
	_ =	sdelay $0x3  }
0x37: {  	[smem:$0x3FBA] =	sst s10  }
0x38: {  	s10 =	sld [smem:$0x3FBB]  }
0x39: {  	_ = 	snop;
	(pc) =	sbr.ind lr, $3  }
0x3a: {  	_ = 	snop  }
0x3b: {  	_ = 	snop  }
0x3c: {  	p2 =	seq.s32 s10, $0x1;
	s10 =	sld [smem:$0x3FBA]  }
0x3d: {  	_ =	shalt  }
0x3e: {  	_ =	shalt  }
0x3f: {  	_ =	shalt  }
0x40: {  	_ =	shalt  }
0x41: {  	_ =	shalt  }
0x42: {  	_ =	shalt  }
0x43: {  	_ =	shalt  }
0x44: {  	_ =	shalt  }
0x45: {  	_ =	shalt  }
0x46: {  	_ =	shalt  }
0x47: {  	_ =	shalt  }
0x48: {  	_ =	shalt  }
0x49: {  	_ =	shalt  }
0x4a: {  	_ =	shalt  }
0x4b: {  	_ =	shalt  }
0x4c: {  	_ =	shalt  }
0x4d: {  	_ =	shalt  }
0x4e: {  	_ =	shalt  }
0x4f: {  	_ =	shalt  }
0x50: {  	_ =	shalt  }
0x51: {  	_ =	shalt  }
0x52: {  	_ =	shalt  }
0x53: {  	_ =	shalt  }
0x54: {  	_ =	shalt  }
0x55: {  	_ =	shalt  }
0x56: {  	_ =	shalt  }
0x57: {  	_ =	shalt  }
0x58: {  	_ =	shalt  }
0x59: {  	_ =	shalt  }
0x5a: {  	_ =	shalt  }
0x5b: {  	_ =	shalt  }
0x5c: {  	_ =	shalt  }
0x5d: {  	_ =	shalt  }
0x5e: {  	_ =	shalt  }
0x5f: {  	_ =	shalt  }
0x60: {  	_ =	shalt  }
0x61: {  	_ =	shalt  }
0x62: {  	_ =	shalt  }
0x63: {  	_ =	shalt  }
0x64: {  	_ =	shalt  }
0x65: {  	_ =	shalt  }
0x66: {  	_ =	shalt  }
0x67: {  	_ =	shalt  }
0x68: {  	_ =	shalt  }
0x69: {  	_ =	shalt  }
0x6a: {  	_ =	shalt  }
0x6b: {  	_ =	shalt  }
0x6c: {  	_ =	shalt  }
0x6d: {  	_ =	shalt  }
0x6e: {  	_ =	shalt  }
0x6f: {  	_ =	shalt  }
0x70: {  	_ =	shalt  }
0x71: {  	_ =	shalt  }
0x72: {  	_ =	shalt  }
0x73: {  	_ =	shalt  }
0x74: {  	_ =	shalt  }
0x75: {  	_ =	shalt  }
0x76: {  	_ =	shalt  }
0x77: {  	_ =	shalt  }
0x78: {  	_ =	shalt  }
0x79: {  	_ =	shalt  }
0x7a: {  	_ =	shalt  }
0x7b: {  	_ =	shalt  }
0x7c: {  	_ =	shalt  }
0x7d: {  	_ =	shalt  }
0x7e: {  	_ =	shalt  }
0x7f: {  	_ =	shalt  }
0x80: {  	_ =	shalt  }
0x81: {  	_ =	shalt  }
0x82: {  	_ =	shalt  }
0x83: {  	_ =	shalt  }
0x84: {  	_ =	shalt  }
0x85: {  	_ =	shalt  }
0x86: {  	_ =	shalt  }
0x87: {  	_ =	shalt  }
.Lfunc_end0:
.L_simem_size_0:
called_computation.1_lowered:
.L_overlay_start_0:
0x88: {  	s2 =	sld [smem:$0x3FD9]  }
0x89: {  	s3 =	sld [smem:$0x3FFE];
	_ =	sdelay $0x1  }
0x8a: {  	s1 =	srdreg.scid  }
0x8b: {  	s0 =	sand.u32 $0x1, s1  }
0x8c: {  	s17 =	sshll.u32 s0, $0xA;
	s2 =	sadd.s32 s3, s2  }
0x8d: {  	s2 =	sadd.s32 s2, s17  }
0x8e: {  	[smem:$0x3FC6] =	sst s2  }
0x8f: {  	_ = 	snop  }
0x90: {  	s2 =	sld [smem:$0x3FD0];
	(tm) =	ssettm $0x1  }
0x91: {  	s18 =	sld [smem:$0x3FFB];
	_ =	sdelay $0x3  }
0x92: {  	_ =	strace s18  }
0x93: {  	s3 =	sld [smem:$0x3FFC];
	_ =	sdelay $0x3  }
0x94: {  	_ =	strace s3  }
0x95: {  	s3 =	sld [smem:$0x3FFD];
	_ =	sdelay $0x3  }
0x96: {  	_ =	strace s3  }
0x97: {  	_ =	strace $0x8FFFFFFF  }
0x98: {  	s19 =	sld [smem:$0x3FDB];
	_ =	sdelay $0x1  }
0x99: {  	s4 =	simm.s32 $_scs_section_size  }
0x9a: {  	s5 =	simm.s32 $_size__tile_overlayer_lowered;
	s6 =	simm.s32 $_tile_overlayer_lowered  }
0x9b: {  	s22 =	simm.s32 $0x1BFF;
	s21 =	sshll.u32 s6, $0x1;
	s3 =	sadd.s32 s4, s19  }
0x9c: {  	s7 =	simm.s32 $0x0;
	s20 =	sshll.u32 s5, $0x1;
	s5 =	sadd.s32 s21, s3  }
0x9d: {  	[timem:s7], [sflag:s22] =	dma.local [hbm:s5], s20  }
0x9e: {  	_ =	swait.ge [sflag:s22], s20  }
0x9f: {  	s4 =	ssub.s32 $0x0, s20;
	[sflag:s22] =	ssyncset.done $0x0  }
0xa0: {  	[sflag:s22] =	ssyncadd.s32 s4;
	_ =	sdelay $0x1  }
0xa1: {  	s23 =	simm.s32 $0x1B8B  }
0xa2: {  	_ =	swait.ge [sflag:s23], $0x1  }
0xa3: {  	[sflag:s23] =	ssyncset.done $0x0  }
0xa4: {  	s25 =	simm.s32 $0x1B8E;
	s24 =	sld [smem:$0x3FFE];
	[sflag:s23] =	ssyncadd.s32 $0xFFFFFFFF  }
0xa5: {  	s26 =	simm.s32 $execute0_lowered;
	[smem:$0x3FD2] =	sst s25  }
0xa6: {  	s5 =	sshll.u32 s26, $0x1;
	_ =	strace $0x80000046;
	[dreg:$0x1] =	wrdreg $0xFFFFFFFF  }
0xa7: {  	s28 =	simm.s32 $_size_execute0_lowered;
	s3 =	sadd.s32 s3, s5;
	[dreg:$0x0] =	wrdreg $0x0  }
0xa8: {  	s5 =	sshll.u32 s28, $0x1;
	[dreg:$0x2] =	wrdreg s3  }
0xa9: {  	[dreg:$0x3] =	wrdreg s5  }
0xaa: {  	[dreg:$0x4] =	wrdreg $0xC0  }
0xab: {  	_ =	task [dreg:s7], $0x5FFFF  }
0xac: {  	[dreg:$0x1] =	wrdreg $0xFFFFFFFF  }
0xad: {  	[dreg:$0x0] =	wrdreg $0x60  }
0xae: {  	[dreg:$0x2] =	wrdreg s24  }
0xaf: {  	[dreg:$0x3] =	wrdreg s2  }
0xb0: {  	[dreg:$0x4] =	wrdreg $0x9  }
0xb1: {  	_ =	task.clear_ibuf [dreg:s7], $0x5FFFF;
	_ =	strace $0x90000046  }
0xb2: {  	s29 =	simm.s32 $0x9;
	_ =	strace $0x80000048  }
0xb3: {  	_ =	swait.ge [sflag:s29], $0x1  }
0xb4: {  	[sflag:s29] =	ssyncadd.s32 $0xFFFFFFFF  }
0xb5: {  	_ =	strace $0x90000048  }
0xb6: {  	_ =	sfence  }
0xb7: {  	s30 =	sld [smem:$0x0];
	_ =	sdelay $0x2  }
0xb8: {  	s31 =	sshll.u32 s1, $0xD;
	s1 =	sshrl.u32 s1, $0x2  }
0xb9: {  	s3 =	sand.u32 $0x4000, s31;
	s1 =	sadd.s32 s1, s30  }
0xba: {  	s0 =	sor.u32 s3, s0;
	s1 =	sshll.u32 s1, $0x11  }
0xbb: {  	s0 =	sor.u32 s1, s0  }
0xbc: {  	s0 =	sadd.s32 $0x8F2B, s0  }
0xbd: {  	[sflag:s0] =	ssyncadd.remote.s32 $0x1  }
0xbe: {  	_ =	sfence.sel $0xFFFF  }
0xbf: {  	[dreg:$0x0] =	wrdreg $0xFFFFFFFF;
	(pc) =	sbr.abs _section_cstart, $3  }
0xc0: {  	[dreg:$0x1] =	wrdreg $0xFFFFFFFF  }
0xc1: {  	_ =	task.clear_ibuf [dreg:s7], $0x2FFFF;
	_ =	strace $0x9FFFFFFF  }
0xc2: {  	(tm) =	ssettm $0x7FFFFFFF  }
0xc3: {  	_ =	shalt  }
tec
execute0_lowered:
.L_overlay_start_1:
0x0: {  	(tag) =	ssettag $0x1  }
0x1: {  	s0 =	srdreg.scid  }
0x2: {  	s3 =	stileid.u32;
	s2 =	rddreg [dreg:$0x0]  }
0x3: {  	s5 =	rddreg [dreg:$0x1];
	s7 =	simm.s32 $0x0;
	s6 =	smul.u32 $0x640000, s3  }
0x4: {  	s0 =	sand.u32 $0x1, s0;
	s1 =	sshll.u32 s3, $0x1;
	s9 =	smul.u32 $0xC800, s3  }
0x5: {  	[smem:$0x7FF] =	sst s7;
	s1 =	sor.u32 s0, s1;
	s12 =	smul.u32 $0x320000, s0  }
0x6: {  	s3 =	sadd.s32 $0xF42E00, s2;
	s8 =	ssub.s32 $0x2, s0;
	s4 =	smul.u32 $0xC80, s1  }
0x7: {  	s2 =	sadd.s32 $0xA00, s2;
	s1 =	smul.u32 $0x320000, s1;
	s10 =	sshrl.u32 s8, $0x1  }
0x8: {  	_ =	strace $0x80000047;
	s0 =	smul.u32 $0x6400, s0;
	s8 =	ssub.s32 s8, s10  }
0x9: {  	s13 =	sadd.s32 s12, s6;
	s4 =	sadd.s32 s5, s4;
	s1 =	sshrl.u32 s1, $0x3  }
0xa: {  	s28 =	smax.u32 s8, $0x1;
	[dreg:$0xb] =	wrdreg s4;
	s1 =	sadd.s32 s2, s1  }
0xb: {  	s0 =	sadd.s32 s0, s9;
	[dreg:$0x14] =	wrdreg s28;
	s14 =	sadd.s32 $0x60000, s1  }
0xc: {  	s4 =	sshrl.u32 s13, $0x3;
	s15 =	sadd.s32 $0x60800, s1;
	[dreg:$0xc] =	wrdreg s14  }
0xd: {  	s0 =	sshll.u32 s0, $0x4;
	s4 =	sadd.s32 s4, s2;
	[dreg:$0xd] =	wrdreg s15  }
0xe: {  	s0 =	sadd.s32 s0, s2;
	s17 =	sadd.s32 $0x61000, s1;
	[dreg:$0x3] =	wrdreg s4  }
0xf: {  	s16 =	sadd.s32 $0x3800, s0;
	[dreg:$0xe] =	wrdreg s17  }
0x10: {  	s19 =	sadd.s32 $0x61800, s1;
	[dreg:$0x4] =	wrdreg s16  }
0x11: {  	s18 =	sadd.s32 $0x3000, s0;
	[dreg:$0xf] =	wrdreg s19  }
0x12: {  	s29 =	simm.s32 $0x8;
	s21 =	sadd.s32 $0x62000, s1;
	[dreg:$0x5] =	wrdreg s18  }
0x13: {  	s31 =	simm.s32 $0x14400;
	s20 =	sadd.s32 $0x2800, s0;
	[dreg:$0x10] =	wrdreg s21  }
0x14: {  	s30 =	simm.s32 $0x12400;
	s23 =	sadd.s32 $0x62800, s1;
	[dreg:$0x6] =	wrdreg s20  }
0x15: {  	s7 =	simm.s32 $0xD;
	s22 =	sadd.s32 $0x2000, s0;
	[dreg:$0x11] =	wrdreg s23  }
0x16: {  	s6 =	simm.s32 $0xC;
	s25 =	sadd.s32 $0x63000, s1;
	[dreg:$0x7] =	wrdreg s22  }
0x17: {  	s9 =	simm.s32 $0xF;
	s24 =	sadd.s32 $0x1800, s0;
	[dreg:$0x12] =	wrdreg s25  }
0x18: {  	s10 =	simm.s32 $0x10;
	s1 =	sadd.s32 $0x63800, s1;
	[dreg:$0x8] =	wrdreg s24  }
0x19: {  	s12 =	simm.s32 $0x0;
	s26 =	sadd.s32 $0x1000, s0;
	[dreg:$0x13] =	wrdreg s1  }
0x1a: {  	s5 =	simm.s32 $0xB;
	s0 =	sadd.s32 $0x800, s0;
	[dreg:$0x9] =	wrdreg s26  }
0x1b: {  	s8 =	simm.s32 $0xE;
	s2 =	simm.s32 $0x9;
	[dreg:$0xa] =	wrdreg s0  }
0x1c: {  	s15 =	simm.s32 $0x80;
	s1 =	simm.s32 $0x40;
	s0 =	simm.s32 $0x2  }
0x1d: {  	s18 =	simm.s32 $0x3;
	s20 =	simm.s32 $0x4;
	s22 =	simm.s32 $0x5  }
0x1e: {  	s24 =	simm.s32 $0x6;
	s26 =	simm.s32 $0x7;
	s4 =	simm.s32 $0xA  }
.LBB2_1:
0x1f: {  	[dreg:$0x15] =	wrdreg s12  }
0x20: {  	s11 =	simm.s32 $0x0;
	s13 =	rddreg [dreg:$0xb];
	s14 =	simm.s32 $0x11  }
0x21: {  	[tilespmem:s11], [sflag:$0x11] =	stream.linear.gather [hbm4b:s13+s11], $0x6400, $0x38;
	[tilespmem:$0x16400] =	vst v63  }
0x22: {  	_ =	swait.ge [sflag:s14], $0x6400  }
0x23: {  	[sflag:s14] =	ssyncset.done $0x0  }
0x24: {  	s12 =	simm.s32 $0x6400;
	[sflag:s14] =	ssyncadd.s32 $0xFFFF9C00  }
0x25: {  	[tilespmem:s12], [sflag:$0x1] =	stream.indirect.gather [hbm4b:s3+s15], $0x40, s11, s15, $0xb8;
	[tilespmem:$0x16400] =	vst v63  }
0x26: {  	s13 =	simm.s32 $0x8400  }
0x27: {  	[tilespmem:s13], [sflag:$0x2] =	stream.indirect.gather [hbm4b:s3+s15], $0x40, s15, s15, $0xb8;
	[tilespmem:$0x16400] =	vst v63  }
0x28: {  	s16 =	simm.s32 $0x100;
	s14 =	simm.s32 $0xA400  }
0x29: {  	[tilespmem:s14], [sflag:$0x3] =	stream.indirect.gather [hbm4b:s3+s15], $0x40, s16, s15, $0xb8;
	[tilespmem:$0x16400] =	vst v63  }
0x2a: {  	s17 =	simm.s32 $0x180;
	s16 =	simm.s32 $0xC400  }
0x2b: {  	[tilespmem:s16], [sflag:$0x4] =	stream.indirect.gather [hbm4b:s3+s15], $0x40, s17, s15, $0xb8;
	[tilespmem:$0x16400] =	vst v63  }
0x2c: {  	s19 =	simm.s32 $0x200;
	s17 =	simm.s32 $0xE400  }
0x2d: {  	[tilespmem:s17], [sflag:$0x5] =	stream.indirect.gather [hbm4b:s3+s15], $0x40, s19, s15, $0xb8;
	[tilespmem:$0x16400] =	vst v63  }
0x2e: {  	s21 =	simm.s32 $0x280;
	s19 =	simm.s32 $0x10400  }
0x2f: {  	[tilespmem:s19], [sflag:$0x6] =	stream.indirect.gather [hbm4b:s3+s15], $0x40, s21, s15, $0xb8;
	[tilespmem:$0x16400] =	vst v63  }
0x30: {  	s23 =	simm.s32 $0x300;
	s21 =	simm.s32 $0x12400  }
0x31: {  	[tilespmem:s21], [sflag:$0x7] =	stream.indirect.gather [hbm4b:s3+s15], $0x40, s23, s15, $0xb8;
	[tilespmem:$0x16400] =	vst v63  }
0x32: {  	s25 =	simm.s32 $0x380;
	s23 =	simm.s32 $0x14400  }
0x33: {  	[tilespmem:s23], [sflag:$0x8] =	stream.indirect.gather [hbm4b:s3+s15], $0x40, s25, s15, $0xb8;
	[tilespmem:$0x16400] =	vst v63  }
0x34: {  	s25 =	simm.s32 $0x1  }
0x35: {  	_ =	swait.ge [sflag:s25], $0x2000  }
0x36: {  	s28 =	rddreg [dreg:$0x3];
	[sflag:s25] =	ssyncset.done $0x0  }
0x37: {  	[sflag:s25] =	ssyncadd.s32 $0xFFFFE000;
	s11 =	sadd.s32 $0x0, s28  }
0x38: {  	[hbm4b:s11+s1] =	stream.strided.scatter [tilespmem:s12], [sflag:$0x9], $0x2000, s15, s1, $0x38;
	[tilespmem:$0x16400] =	vst v63  }
0x39: {  	_ =	swait.ge [sflag:s0], $0x2000  }
0x3a: {  	s25 =	rddreg [dreg:$0xa];
	[sflag:s0] =	ssyncset.done $0x0  }
0x3b: {  	[sflag:s0] =	ssyncadd.s32 $0xFFFFE000;
	s11 =	sadd.s32 $0x0, s25  }
0x3c: {  	[hbm4b:s11+s1] =	stream.strided.scatter [tilespmem:s13], [sflag:$0xA], $0x2000, s15, s1, $0x38;
	[tilespmem:$0x16400] =	vst v63  }
0x3d: {  	_ =	swait.ge [sflag:s18], $0x2000  }
0x3e: {  	s28 =	rddreg [dreg:$0x9];
	[sflag:s18] =	ssyncset.done $0x0  }
0x3f: {  	[sflag:s18] =	ssyncadd.s32 $0xFFFFE000;
	s11 =	sadd.s32 $0x0, s28  }
0x40: {  	[hbm4b:s11+s1] =	stream.strided.scatter [tilespmem:s14], [sflag:$0xB], $0x2000, s15, s1, $0x38;
	[tilespmem:$0x16400] =	vst v63  }
0x41: {  	_ =	swait.ge [sflag:s20], $0x2000  }
0x42: {  	s25 =	rddreg [dreg:$0x8];
	[sflag:s20] =	ssyncset.done $0x0  }
0x43: {  	[sflag:s20] =	ssyncadd.s32 $0xFFFFE000;
	s11 =	sadd.s32 $0x0, s25  }
0x44: {  	[hbm4b:s11+s1] =	stream.strided.scatter [tilespmem:s16], [sflag:$0xC], $0x2000, s15, s1, $0x38;
	[tilespmem:$0x16400] =	vst v63  }
0x45: {  	_ =	swait.ge [sflag:s22], $0x2000  }
0x46: {  	s28 =	rddreg [dreg:$0x7];
	[sflag:s22] =	ssyncset.done $0x0  }
0x47: {  	[sflag:s22] =	ssyncadd.s32 $0xFFFFE000;
	s11 =	sadd.s32 $0x0, s28  }
0x48: {  	[hbm4b:s11+s1] =	stream.strided.scatter [tilespmem:s17], [sflag:$0xD], $0x2000, s15, s1, $0x38;
	[tilespmem:$0x16400] =	vst v63  }
0x49: {  	_ =	swait.ge [sflag:s24], $0x2000  }
0x4a: {  	s25 =	rddreg [dreg:$0x6];
	[sflag:s24] =	ssyncset.done $0x0  }
0x4b: {  	[sflag:s24] =	ssyncadd.s32 $0xFFFFE000;
	s11 =	sadd.s32 $0x0, s25  }
0x4c: {  	[hbm4b:s11+s1] =	stream.strided.scatter [tilespmem:s19], [sflag:$0xE], $0x2000, s15, s1, $0x38;
	[tilespmem:$0x16400] =	vst v63  }
0x4d: {  	_ =	swait.ge [sflag:s26], $0x2000  }
0x4e: {  	s28 =	rddreg [dreg:$0x5];
	[sflag:s26] =	ssyncset.done $0x0  }
0x4f: {  	[sflag:s26] =	ssyncadd.s32 $0xFFFFE000;
	s11 =	sadd.s32 $0x0, s28  }
0x50: {  	[hbm4b:s11+s1] =	stream.strided.scatter [tilespmem:s21], [sflag:$0xF], $0x2000, s15, s1, $0x38;
	[tilespmem:$0x16400] =	vst v63  }
0x51: {  	_ =	swait.ge [sflag:s29], $0x2000  }
0x52: {  	s25 =	rddreg [dreg:$0x4];
	[sflag:s29] =	ssyncset.done $0x0  }
0x53: {  	[sflag:s29] =	ssyncadd.s32 $0xFFFFE000;
	s11 =	sadd.s32 $0x0, s25  }
0x54: {  	[hbm4b:s11+s1] =	stream.strided.scatter [tilespmem:s23], [sflag:$0x10], $0x2000, s15, s1, $0x38;
	[tilespmem:$0x16400] =	vst v63  }
0x55: {  	_ =	swait.ge [sflag:s2], $0x2000  }
0x56: {  	[sflag:s2] =	ssyncset.done $0x0  }
0x57: {  	s28 =	simm.s32 $0x400;
	[sflag:s2] =	ssyncadd.s32 $0xFFFFE000  }
0x58: {  	[tilespmem:s12], [sflag:$0x1] =	stream.indirect.gather [hbm4b:s3+s15], $0x40, s28, s15, $0xb8;
	[tilespmem:$0x16400] =	vst v63  }
0x59: {  	_ =	swait.ge [sflag:s4], $0x2000  }
0x5a: {  	[sflag:s4] =	ssyncset.done $0x0  }
0x5b: {  	s12 =	simm.s32 $0x480;
	[sflag:s4] =	ssyncadd.s32 $0xFFFFE000  }
0x5c: {  	[tilespmem:s13], [sflag:$0x2] =	stream.indirect.gather [hbm4b:s3+s15], $0x40, s12, s15, $0xb8;
	[tilespmem:$0x16400] =	vst v63  }
0x5d: {  	_ =	swait.ge [sflag:s5], $0x2000  }
0x5e: {  	[sflag:s5] =	ssyncset.done $0x0  }
0x5f: {  	s13 =	simm.s32 $0x500;
	[sflag:s5] =	ssyncadd.s32 $0xFFFFE000  }
0x60: {  	[tilespmem:s14], [sflag:$0x3] =	stream.indirect.gather [hbm4b:s3+s15], $0x40, s13, s15, $0xb8;
	[tilespmem:$0x16400] =	vst v63  }
0x61: {  	_ =	swait.ge [sflag:s6], $0x2000  }
0x62: {  	[sflag:s6] =	ssyncset.done $0x0  }
0x63: {  	s14 =	simm.s32 $0x580;
	[sflag:s6] =	ssyncadd.s32 $0xFFFFE000  }
0x64: {  	[tilespmem:s16], [sflag:$0x4] =	stream.indirect.gather [hbm4b:s3+s15], $0x40, s14, s15, $0xb8;
	[tilespmem:$0x16400] =	vst v63  }
0x65: {  	_ =	swait.ge [sflag:s7], $0x2000  }
0x66: {  	[sflag:s7] =	ssyncset.done $0x0  }
0x67: {  	s23 =	simm.s32 $0x600;
	[sflag:s7] =	ssyncadd.s32 $0xFFFFE000  }
0x68: {  	[tilespmem:s17], [sflag:$0x5] =	stream.indirect.gather [hbm4b:s3+s15], $0x40, s23, s15, $0xb8;
	[tilespmem:$0x16400] =	vst v63  }
0x69: {  	_ =	swait.ge [sflag:s8], $0x2000  }
0x6a: {  	[sflag:s8] =	ssyncset.done $0x0  }
0x6b: {  	s25 =	simm.s32 $0x680;
	[sflag:s8] =	ssyncadd.s32 $0xFFFFE000  }
0x6c: {  	[tilespmem:s19], [sflag:$0x6] =	stream.indirect.gather [hbm4b:s3+s15], $0x40, s25, s15, $0xb8;
	[tilespmem:$0x16400] =	vst v63  }
0x6d: {  	_ =	swait.ge [sflag:s9], $0x2000  }
0x6e: {  	[sflag:s9] =	ssyncset.done $0x0  }
0x6f: {  	s28 =	simm.s32 $0x700;
	[sflag:s9] =	ssyncadd.s32 $0xFFFFE000  }
0x70: {  	[tilespmem:s21], [sflag:$0x7] =	stream.indirect.gather [hbm4b:s3+s15], $0x40, s28, s15, $0xb8;
	[tilespmem:$0x16400] =	vst v63  }
0x71: {  	_ =	swait.ge [sflag:s10], $0x2000  }
0x72: {  	s12 =	simm.s32 $0x780;
	[sflag:s10] =	ssyncset.done $0x0  }
0x73: {  	s13 =	simm.s32 $0x4000;
	s14 =	simm.s32 $0xB80;
	[sflag:s10] =	ssyncadd.s32 $0xFFFFE000  }
.LBB2_2:
0x74: {  	[tilespmem:s31], [sflag:$0x8] =	stream.indirect.gather [hbm4b:s3+s15], $0x40, s12, s15, $0xb8;
	[tilespmem:$0x16400] =	vst v63  }
0x75: {  	s17 =	simm.s32 $0x1  }
0x76: {  	_ =	swait.ge [sflag:s17], $0x2000  }
0x77: {  	s11 =	smov.u32 s13;
	s16 =	rddreg [dreg:$0x3];
	[sflag:s17] =	ssyncset.done $0x0  }
0x78: {  	[sflag:s17] =	ssyncadd.s32 $0xFFFFE000;
	s16 =	sadd.s32 s11, s16;
	s17 =	simm.s32 $0x6400  }
0x79: {  	[hbm4b:s16+s1] =	stream.strided.scatter [tilespmem:s17], [sflag:$0x9], $0x2000, s15, s1, $0x38;
	[tilespmem:$0x16400] =	vst v63  }
0x7a: {  	_ =	swait.ge [sflag:s0], $0x2000  }
0x7b: {  	s19 =	rddreg [dreg:$0xa];
	[sflag:s0] =	ssyncset.done $0x0  }
0x7c: {  	[sflag:s0] =	ssyncadd.s32 $0xFFFFE000;
	s16 =	sadd.s32 s11, s19;
	s19 =	simm.s32 $0x8400  }
0x7d: {  	[hbm4b:s16+s1] =	stream.strided.scatter [tilespmem:s19], [sflag:$0xA], $0x2000, s15, s1, $0x38;
	[tilespmem:$0x16400] =	vst v63  }
0x7e: {  	_ =	swait.ge [sflag:s18], $0x2000  }
0x7f: {  	s21 =	rddreg [dreg:$0x9];
	[sflag:s18] =	ssyncset.done $0x0  }
0x80: {  	[sflag:s18] =	ssyncadd.s32 $0xFFFFE000;
	s16 =	sadd.s32 s11, s21;
	s21 =	simm.s32 $0xA400  }
0x81: {  	[hbm4b:s16+s1] =	stream.strided.scatter [tilespmem:s21], [sflag:$0xB], $0x2000, s15, s1, $0x38;
	[tilespmem:$0x16400] =	vst v63  }
0x82: {  	_ =	swait.ge [sflag:s20], $0x2000  }
0x83: {  	s23 =	rddreg [dreg:$0x8];
	[sflag:s20] =	ssyncset.done $0x0  }
0x84: {  	[sflag:s20] =	ssyncadd.s32 $0xFFFFE000;
	s16 =	sadd.s32 s11, s23;
	s23 =	simm.s32 $0xC400  }
0x85: {  	[hbm4b:s16+s1] =	stream.strided.scatter [tilespmem:s23], [sflag:$0xC], $0x2000, s15, s1, $0x38;
	[tilespmem:$0x16400] =	vst v63  }
0x86: {  	_ =	swait.ge [sflag:s22], $0x2000  }
0x87: {  	s25 =	rddreg [dreg:$0x7];
	[sflag:s22] =	ssyncset.done $0x0  }
0x88: {  	[sflag:s22] =	ssyncadd.s32 $0xFFFFE000;
	s16 =	sadd.s32 s11, s25;
	s25 =	simm.s32 $0xE400  }
0x89: {  	[hbm4b:s16+s1] =	stream.strided.scatter [tilespmem:s25], [sflag:$0xD], $0x2000, s15, s1, $0x38;
	[tilespmem:$0x16400] =	vst v63  }
0x8a: {  	_ =	swait.ge [sflag:s24], $0x2000  }
0x8b: {  	s16 =	rddreg [dreg:$0x6];
	[sflag:s24] =	ssyncset.done $0x0  }
0x8c: {  	s28 =	simm.s32 $0x10400;
	[sflag:s24] =	ssyncadd.s32 $0xFFFFE000;
	s16 =	sadd.s32 s11, s16  }
0x8d: {  	[hbm4b:s16+s1] =	stream.strided.scatter [tilespmem:s28], [sflag:$0xE], $0x2000, s15, s1, $0x38;
	[tilespmem:$0x16400] =	vst v63  }
0x8e: {  	_ =	swait.ge [sflag:s26], $0x2000  }
0x8f: {  	s16 =	rddreg [dreg:$0x5];
	[sflag:s26] =	ssyncset.done $0x0  }
0x90: {  	[sflag:s26] =	ssyncadd.s32 $0xFFFFE000;
	s16 =	sadd.s32 s11, s16  }
0x91: {  	[hbm4b:s16+s1] =	stream.strided.scatter [tilespmem:s30], [sflag:$0xF], $0x2000, s15, s1, $0x38;
	[tilespmem:$0x16400] =	vst v63  }
0x92: {  	_ =	swait.ge [sflag:s29], $0x2000  }
0x93: {  	s16 =	rddreg [dreg:$0x4];
	[sflag:s29] =	ssyncset.done $0x0  }
0x94: {  	[sflag:s29] =	ssyncadd.s32 $0xFFFFE000;
	s11 =	sadd.s32 s11, s16  }
0x95: {  	[hbm4b:s11+s1] =	stream.strided.scatter [tilespmem:s31], [sflag:$0x10], $0x2000, s15, s1, $0x38;
	[tilespmem:$0x16400] =	vst v63  }
0x96: {  	_ =	swait.ge [sflag:s2], $0x2000  }
0x97: {  	[sflag:s2] =	ssyncset.done $0x0  }
0x98: {  	s11 =	sadd.s32 $0xFFFFFC80, s14;
	[sflag:s2] =	ssyncadd.s32 $0xFFFFE000  }
0x99: {  	[tilespmem:s17], [sflag:$0x1] =	stream.indirect.gather [hbm4b:s3+s15], $0x40, s11, s15, $0xb8;
	[tilespmem:$0x16400] =	vst v63  }
0x9a: {  	_ =	swait.ge [sflag:s4], $0x2000  }
0x9b: {  	[sflag:s4] =	ssyncset.done $0x0  }
0x9c: {  	s11 =	sadd.s32 $0xFFFFFD00, s14;
	[sflag:s4] =	ssyncadd.s32 $0xFFFFE000  }
0x9d: {  	[tilespmem:s19], [sflag:$0x2] =	stream.indirect.gather [hbm4b:s3+s15], $0x40, s11, s15, $0xb8;
	[tilespmem:$0x16400] =	vst v63  }
0x9e: {  	_ =	swait.ge [sflag:s5], $0x2000  }
0x9f: {  	[sflag:s5] =	ssyncset.done $0x0  }
0xa0: {  	s11 =	sadd.s32 $0xFFFFFD80, s14;
	[sflag:s5] =	ssyncadd.s32 $0xFFFFE000  }
0xa1: {  	[tilespmem:s21], [sflag:$0x3] =	stream.indirect.gather [hbm4b:s3+s15], $0x40, s11, s15, $0xb8;
	[tilespmem:$0x16400] =	vst v63  }
0xa2: {  	_ =	swait.ge [sflag:s6], $0x2000  }
0xa3: {  	[sflag:s6] =	ssyncset.done $0x0  }
0xa4: {  	s11 =	sadd.s32 $0xFFFFFE00, s14;
	[sflag:s6] =	ssyncadd.s32 $0xFFFFE000  }
0xa5: {  	[tilespmem:s23], [sflag:$0x4] =	stream.indirect.gather [hbm4b:s3+s15], $0x40, s11, s15, $0xb8;
	[tilespmem:$0x16400] =	vst v63  }
0xa6: {  	_ =	swait.ge [sflag:s7], $0x2000  }
0xa7: {  	[sflag:s7] =	ssyncset.done $0x0  }
0xa8: {  	s11 =	sadd.s32 $0xFFFFFE80, s14;
	[sflag:s7] =	ssyncadd.s32 $0xFFFFE000  }
0xa9: {  	[tilespmem:s25], [sflag:$0x5] =	stream.indirect.gather [hbm4b:s3+s15], $0x40, s11, s15, $0xb8;
	[tilespmem:$0x16400] =	vst v63  }
0xaa: {  	_ =	swait.ge [sflag:s8], $0x2000  }
0xab: {  	[sflag:s8] =	ssyncset.done $0x0  }
0xac: {  	s12 =	smov.u32 s14;
	s11 =	sadd.s32 $0xFFFFFF00, s14;
	[sflag:s8] =	ssyncadd.s32 $0xFFFFE000  }
0xad: {  	[tilespmem:s28], [sflag:$0x6] =	stream.indirect.gather [hbm4b:s3+s15], $0x40, s11, s15, $0xb8;
	[tilespmem:$0x16400] =	vst v63  }
0xae: {  	p0 =	sne.s32 s13, $0x5C000;
	s13 =	sadd.s32 $0x4000, s13;
	_ =	swait.ge [sflag:s9], $0x2000  }
0xaf: {  	s16 =	simm.s32 $0x6400;
	s17 =	simm.s32 $0x8400;
	[sflag:s9] =	ssyncset.done $0x0  }
.Ltmp0:
0xb0: {  	s11 =	sadd.s32 $0xFFFFFF80, s14;
	[sflag:s9] =	ssyncadd.s32 $0xFFFFE000;
	(pc) =	sbr.rel @p0 .LBB2_2-.Ltmp0, $4  }
0xb1: {  	[tilespmem:s30], [sflag:$0x7] =	stream.indirect.gather [hbm4b:s3+s15], $0x40, s11, s15, $0xb8;
	[tilespmem:$0x16400] =	vst v63  }
0xb2: {  	s19 =	simm.s32 $0xA400;
	s21 =	simm.s32 $0xC400;
	_ =	swait.ge [sflag:s10], $0x2000  }
0xb3: {  	s23 =	simm.s32 $0xE400;
	s25 =	simm.s32 $0x10400;
	[sflag:s10] =	ssyncset.done $0x0  }
0xb4: {  	s28 =	simm.s32 $0x12400;
	s14 =	sadd.s32 $0x400, s14;
	[sflag:s10] =	ssyncadd.s32 $0xFFFFE000  }
0xb5: {  	s13 =	simm.s32 $0x14400;
	s11 =	simm.s32 $0x1  }
0xb6: {  	[tilespmem:s13], [sflag:$0x8] =	stream.indirect.gather [hbm4b:s3+s15], $0x40, s12, s15, $0xb8;
	[tilespmem:$0x16400] =	vst v63  }
0xb7: {  	_ =	swait.ge [sflag:s11], $0x2000  }
0xb8: {  	[sflag:s11] =	ssyncset.done $0x0  }
0xb9: {  	s14 =	rddreg [dreg:$0xc];
	[sflag:s11] =	ssyncadd.s32 $0xFFFFE000  }
0xba: {  	[hbm4b:s14+s1] =	stream.strided.scatter [tilespmem:s16], [sflag:$0x9], $0x2000, s15, s1, $0x38;
	[tilespmem:$0x16400] =	vst v63  }
0xbb: {  	_ =	swait.ge [sflag:s0], $0x2000  }
0xbc: {  	[sflag:s0] =	ssyncset.done $0x0  }
0xbd: {  	s12 =	rddreg [dreg:$0xd];
	[sflag:s0] =	ssyncadd.s32 $0xFFFFE000  }
0xbe: {  	[hbm4b:s12+s1] =	stream.strided.scatter [tilespmem:s17], [sflag:$0xA], $0x2000, s15, s1, $0x38;
	[tilespmem:$0x16400] =	vst v63  }
0xbf: {  	_ =	swait.ge [sflag:s18], $0x2000  }
0xc0: {  	[sflag:s18] =	ssyncset.done $0x0  }
0xc1: {  	s14 =	rddreg [dreg:$0xe];
	[sflag:s18] =	ssyncadd.s32 $0xFFFFE000  }
0xc2: {  	[hbm4b:s14+s1] =	stream.strided.scatter [tilespmem:s19], [sflag:$0xB], $0x2000, s15, s1, $0x38;
	[tilespmem:$0x16400] =	vst v63  }
0xc3: {  	_ =	swait.ge [sflag:s20], $0x2000  }
0xc4: {  	[sflag:s20] =	ssyncset.done $0x0  }
0xc5: {  	s16 =	rddreg [dreg:$0xf];
	[sflag:s20] =	ssyncadd.s32 $0xFFFFE000  }
0xc6: {  	[hbm4b:s16+s1] =	stream.strided.scatter [tilespmem:s21], [sflag:$0xC], $0x2000, s15, s1, $0x38;
	[tilespmem:$0x16400] =	vst v63  }
0xc7: {  	_ =	swait.ge [sflag:s22], $0x2000  }
0xc8: {  	[sflag:s22] =	ssyncset.done $0x0  }
0xc9: {  	s17 =	rddreg [dreg:$0x10];
	[sflag:s22] =	ssyncadd.s32 $0xFFFFE000  }
0xca: {  	[hbm4b:s17+s1] =	stream.strided.scatter [tilespmem:s23], [sflag:$0xD], $0x2000, s15, s1, $0x38;
	[tilespmem:$0x16400] =	vst v63  }
0xcb: {  	_ =	swait.ge [sflag:s24], $0x2000  }
0xcc: {  	[sflag:s24] =	ssyncset.done $0x0  }
0xcd: {  	s19 =	rddreg [dreg:$0x11];
	[sflag:s24] =	ssyncadd.s32 $0xFFFFE000  }
0xce: {  	[hbm4b:s19+s1] =	stream.strided.scatter [tilespmem:s25], [sflag:$0xE], $0x2000, s15, s1, $0x38;
	[tilespmem:$0x16400] =	vst v63  }
0xcf: {  	_ =	swait.ge [sflag:s26], $0x2000  }
0xd0: {  	[sflag:s26] =	ssyncset.done $0x0  }
0xd1: {  	s21 =	rddreg [dreg:$0x12];
	[sflag:s26] =	ssyncadd.s32 $0xFFFFE000  }
0xd2: {  	[hbm4b:s21+s1] =	stream.strided.scatter [tilespmem:s28], [sflag:$0xF], $0x2000, s15, s1, $0x38;
	[tilespmem:$0x16400] =	vst v63  }
0xd3: {  	_ =	swait.ge [sflag:s29], $0x2000  }
0xd4: {  	[sflag:s29] =	ssyncset.done $0x0  }
0xd5: {  	s23 =	rddreg [dreg:$0x13];
	[sflag:s29] =	ssyncadd.s32 $0xFFFFE000  }
0xd6: {  	[hbm4b:s23+s1] =	stream.strided.scatter [tilespmem:s13], [sflag:$0x10], $0x2000, s15, s1, $0x38;
	[tilespmem:$0x16400] =	vst v63  }
0xd7: {  	_ =	swait.ge [sflag:s2], $0x2000  }
0xd8: {  	[sflag:s2] =	ssyncset.done $0x0  }
0xd9: {  	[sflag:s2] =	ssyncadd.s32 $0xFFFFE000  }
0xda: {  	_ =	swait.ge [sflag:s4], $0x2000  }
0xdb: {  	[sflag:s4] =	ssyncset.done $0x0  }
0xdc: {  	[sflag:s4] =	ssyncadd.s32 $0xFFFFE000  }
0xdd: {  	_ =	swait.ge [sflag:s5], $0x2000  }
0xde: {  	[sflag:s5] =	ssyncset.done $0x0  }
0xdf: {  	[sflag:s5] =	ssyncadd.s32 $0xFFFFE000  }
0xe0: {  	_ =	swait.ge [sflag:s6], $0x2000  }
0xe1: {  	[sflag:s6] =	ssyncset.done $0x0  }
0xe2: {  	[sflag:s6] =	ssyncadd.s32 $0xFFFFE000  }
0xe3: {  	_ =	swait.ge [sflag:s7], $0x2000  }
0xe4: {  	[sflag:s7] =	ssyncset.done $0x0  }
0xe5: {  	[sflag:s7] =	ssyncadd.s32 $0xFFFFE000  }
0xe6: {  	_ =	swait.ge [sflag:s8], $0x2000  }
0xe7: {  	[sflag:s8] =	ssyncset.done $0x0  }
0xe8: {  	[sflag:s8] =	ssyncadd.s32 $0xFFFFE000  }
0xe9: {  	_ =	swait.ge [sflag:s9], $0x2000  }
0xea: {  	[sflag:s9] =	ssyncset.done $0x0  }
0xeb: {  	[sflag:s9] =	ssyncadd.s32 $0xFFFFE000  }
0xec: {  	_ =	swait.ge [sflag:s10], $0x2000  }
0xed: {  	s25 =	rddreg [dreg:$0x15]  }
0xee: {  	s28 =	rddreg [dreg:$0x14];
	s12 =	sadd.s32 $0x1, s25  }
0xef: {  	p0 =	sne.s32 s12, s28  }
.Ltmp1:
0xf0: {  	_ = 	snop;
	(pc) =	sbr.rel @p0 .LBB2_1-.Ltmp1, $3  }
0xf1: {  	_ =	sdelay $0x1  }
0xf2: {  	[sflag:s10] =	ssyncset.done $0x0  }
0xf3: {  	[sflag:s10] =	ssyncadd.s32 $0xFFFFE000  }
0xf4: {  	_ =	sfence.sel $0x180000  }
0xf5: {  	[bflag:$0x0] =	sbarrier.arrive $0xFFFF  }
0xf6: {  	_ =	strace $0x90000047  }
0xf7: {  	s0 =	stileid.u32;
	[bflag:$0x2] =	sbarrier.arrive $0xFFFF  }
0xf8: {  	p0 =	sne.s32 s0, $0x0;
	s0 =	rddreg [dreg:$0x2]  }
0xf9: {  	s0 =	sadd.s32 @!p0 $0x100000, s0  }
0xfa: {  	[sflag:s0] =	ssyncadd.tile.s32 @!p0 $0x1;
	_ =	shalt  }
.Lfunc_end2:
_tile_overlayer_lowered:
.L_overlay_start_2:
0xfb: {  	(tag) =	ssettag $0x2  }
0xfc: {  	s0 =	rddreg [dreg:$0x0];
	s2 =	stileid.u32  }
0xfd: {  	s1 =	rddreg [dreg:$0x1];
	p0 =	sne.s32 s2, $0x0  }
0xfe: {  	s3 =	rddreg [dreg:$0x2];
	[bflag:$0x3] =	sbarrier.arrive $0xFFFF;
	s2 =	simm.s32 @!p0 $0x1C11  }
0xff: {  	[timem:s3], [sflag:s2] =	dma.local @!p0 [hbm:s0], s1  }
0x100: {  	s0 =	simm.s32 @!p0 $0x11  }
0x101: {  	_ =	swait.ge @!p0 [sflag:s0], s1  }
0x102: {  	s1 =	ssub.s32 @!p0 $0x0, s1;
	[sflag:s0] =	ssyncset.done @!p0 $0x0  }
0x103: {  	[sflag:s0] =	ssyncadd.s32 @!p0 s1  }
0x104: {  	[bflag:$0x3] =	sbarrier.arrive $0xFFFF  }
0x105: {  	_ =	shalt  }

// kernel: sparse-core-data-format-call.cloned.1.call-start
scs
called_computation_lowered:
.L_overlay_start_0:
0x0: {  	s2 =	sld [smem:$0x3FD9]  }
0x1: {  	s3 =	sld [smem:$0x3FFE];
	_ =	sdelay $0x1  }
0x2: {  	s1 =	srdreg.scid  }
0x3: {  	s0 =	sand.u32 $0x1, s1  }
0x4: {  	s18 =	sshll.u32 s0, $0xA;
	s2 =	sadd.s32 s3, s2  }
0x5: {  	s2 =	sadd.s32 s2, s18  }
0x6: {  	[smem:$0x3FC6] =	sst s2  }
0x7: {  	_ = 	snop  }
0x8: {  	s2 =	sld [smem:$0x3FD0];
	(tm) =	ssettm $0x1  }
0x9: {  	s19 =	sld [smem:$0x3FFB];
	_ =	sdelay $0x3  }
0xa: {  	_ =	strace s19  }
0xb: {  	s3 =	sld [smem:$0x3FFC];
	_ =	sdelay $0x3  }
0xc: {  	_ =	strace s3  }
0xd: {  	s3 =	sld [smem:$0x3FFD];
	_ =	sdelay $0x3  }
0xe: {  	_ =	strace s3  }
0xf: {  	_ =	strace $0x8FFFFFFF  }
0x10: {  	s20 =	sld [smem:$0x3FDB];
	_ =	sdelay $0x1  }
0x11: {  	s4 =	simm.s32 $_scs_section_size  }
0x12: {  	s5 =	simm.s32 $_size__tile_overlayer_lowered;
	s6 =	simm.s32 $_tile_overlayer_lowered  }
0x13: {  	s23 =	simm.s32 $0x1BFF;
	s22 =	sshll.u32 s6, $0x1;
	s3 =	sadd.s32 s4, s20  }
0x14: {  	s7 =	simm.s32 $0x0;
	s21 =	sshll.u32 s5, $0x1;
	s5 =	sadd.s32 s22, s3  }
0x15: {  	[timem:s7], [sflag:s23] =	dma.local [hbm:s5], s21  }
0x16: {  	_ =	swait.ge [sflag:s23], s21  }
0x17: {  	s4 =	ssub.s32 $0x0, s21;
	[sflag:s23] =	ssyncset.done $0x0  }
0x18: {  	[sflag:s23] =	ssyncadd.s32 s4;
	_ =	sdelay $0x1  }
0x19: {  	s24 =	simm.s32 $0x1B8B  }
0x1a: {  	_ =	swait.ge [sflag:s24], $0x1  }
0x1b: {  	[sflag:s24] =	ssyncset.done $0x0  }
0x1c: {  	s26 =	simm.s32 $0x1B8E;
	s25 =	sld [smem:$0x3FFE];
	[sflag:s24] =	ssyncadd.s32 $0xFFFFFFFF  }
0x1d: {  	s27 =	simm.s32 $execute0_lowered;
	[smem:$0x3FD2] =	sst s26  }
0x1e: {  	s5 =	sshll.u32 s27, $0x1;
	_ =	strace $0x80000049;
	[dreg:$0x1] =	wrdreg $0xFFFFFFFF  }
0x1f: {  	s28 =	simm.s32 $_size_execute0_lowered;
	s3 =	sadd.s32 s3, s5;
	[dreg:$0x0] =	wrdreg $0x0  }
0x20: {  	s5 =	sshll.u32 s28, $0x1;
	[dreg:$0x2] =	wrdreg s3  }
0x21: {  	[dreg:$0x3] =	wrdreg s5  }
0x22: {  	[dreg:$0x4] =	wrdreg $0xC0  }
0x23: {  	_ =	task [dreg:s7], $0x5FFFF  }
0x24: {  	[dreg:$0x1] =	wrdreg $0xFFFFFFFF  }
0x25: {  	[dreg:$0x0] =	wrdreg $0x60  }
0x26: {  	[dreg:$0x2] =	wrdreg s25  }
0x27: {  	[dreg:$0x3] =	wrdreg s2  }
0x28: {  	[dreg:$0x4] =	wrdreg $0x9  }
0x29: {  	_ =	task.clear_ibuf [dreg:s7], $0x5FFFF;
	_ =	strace $0x90000049  }
0x2a: {  	s29 =	simm.s32 $0x9;
	_ =	strace $0x8000004B  }
0x2b: {  	_ =	swait.ge [sflag:s29], $0x1  }
0x2c: {  	[sflag:s29] =	ssyncadd.s32 $0xFFFFFFFF  }
0x2d: {  	_ =	strace $0x9000004B  }
0x2e: {  	_ =	sfence  }
0x2f: {  	s30 =	sld [smem:$0x0];
	_ =	sdelay $0x2  }
0x30: {  	s31 =	sshll.u32 s1, $0xD;
	s1 =	sshrl.u32 s1, $0x2  }
0x31: {  	s3 =	sand.u32 $0x4000, s31;
	s1 =	sadd.s32 s1, s30  }
0x32: {  	s0 =	sor.u32 s3, s0;
	s1 =	sshll.u32 s1, $0x11  }
0x33: {  	s0 =	sor.u32 s1, s0  }
0x34: {  	s0 =	sadd.s32 $0x8F2B, s0  }
0x35: {  	[sflag:s0] =	ssyncadd.remote.s32 $0x1  }
0x36: {  	_ =	sfence.sel $0xFFFF  }
0x37: {  	[dreg:$0x0] =	wrdreg $0xFFFFFFFF;
	(pc) =	sbr.abs _section_cstart, $3  }
0x38: {  	[dreg:$0x1] =	wrdreg $0xFFFFFFFF  }
0x39: {  	_ =	task.clear_ibuf [dreg:s7], $0x2FFFF;
	_ =	strace $0x9FFFFFFF  }
0x3a: {  	(tm) =	ssettm $0x7FFFFFFF  }
0x3b: {  	_ =	shalt  }
tec
execute0_lowered:
.L_overlay_start_1:
0x0: {  	(tag) =	ssettag $0x1  }
0x1: {  	s0 =	srdreg.scid  }
0x2: {  	s1 =	sshll.u32 s0, $0x4  }
0x3: {  	s0 =	stileid.u32;
	s1 =	sand.u32 $0x10, s1  }
0x4: {  	s1 =	sor.u32 s0, s1  }
0x5: {  	s6 =	rddreg [dreg:$0x0];
	s4 =	simm.s32 $0x1;
	s2 =	sshll.u32 s1, $0x7  }
0x6: {  	s7 =	simm.s32 $0x2;
	s12 =	simm.s32 $0x0;
	s1 =	ssub.s32 $0x1000, s2  }
0x7: {  	s8 =	simm.s32 $0x8000;
	s13 =	simm.s32 $0x0;
	s3 =	sand.u32 $0xF80, s1  }
0x8: {  	s9 =	simm.s32 $0x0;
	s5 =	sshrl.u32 s1, $0xC;
	p0 =	sne.s32 s3, $0x0  }
.Ltmp0:
0x9: {  	s1 =	rddreg [dreg:$0x2];
	s4 =	simm.s32 @!p0 $0x0;
	(pc) =	sbr.rel .LBB1_1-.Ltmp0, $4  }
0xa: {  	s11 =	simm.s32 $0x0;
	s3 =	rddreg [dreg:$0x1];
	s5 =	sadd.s32 s4, s5  }
0xb: {  	_ =	strace $0x8000004A;
	s4 =	simm.s32 $0x1;
	s5 =	smul.u32 $0xC8, s5  }
0xc: {  	s6 =	sadd.s32 $0xA00, s6;
	s10 =	smov.u32 s2;
	[sflag:s4] =	ssyncpa.u1 $0x0  }
0xd: {  	p0 =	por $0x0, $0x0;
	[sflag:s7] =	ssyncpa.u1 $0x0;
	s7 =	sor.u32 $0x1, s5  }
.LBB1_4:
0xe: {  	s16 =	sshll.u32 s13, $0x3;
	s17 =	sand.u32 $0x78, s13  }
0xf: {  	s30 =	sand.u32 $0x7E00, s13;
	s12 =	sshll.u32 s12, $0xF;
	s16 =	sand.u32 $0xC00, s16  }
0x10: {  	[tilespmem:s15+$0x810 ss:$0x81] =	vst.msk $0xffff, v2;
	s31 =	sand.u32 $0x7, s13;
	s16 =	sor.u32 s17, s16;
	s17 =	sadd.s32 s3, s30  }
0x11: {  	[tilespmem:s15+$0x1020 ss:$0x81] =	vst.msk $0xffff, v0;
	s13 =	sshll.u32 s31, $0x12;
	s12 =	sadd.s32 s12, s17;
	s16 =	sshrl.u32 s16, $0x3  }
0x12: {  	[tilespmem:s15+$0x0 ss:$0x81] =	vst.msk $0xffff, v1;
	s13 =	sor.u32 $0x400, s13;
	s12 =	sadd.s32 s16, s12  }
0x13: {  	[hbm4b:s12+s13] =	stream.strided.scatter [tilespmem:s14], [sflag:$0x2], $0x2000, s8, s13, $0x20;
	[tilespmem:$0x8080] =	vst v63  }
.LBB1_5:
0x14: {  	s14 =	sadd.s32 $0x1, s9  }
0x15: {  	s12 =	sadd.s32 $0x1000, s10;
	s16 =	smov.u32 s10;
	p2 =	sgt.s32 s14, $0xC7  }
0x16: {  	s16 =	smov.u32 @p2 s12  }
0x17: {  	s14 =	simm.s32 @p2 $0x0;
	p2 =	sgt.s32 s16, $0xFFF  }
0x18: {  	s16 =	smov.u32 @p2 s2;
	p2 =	sne.s32 s11, s7  }
.Ltmp1:
0x19: {  	p1 =	slt.u32 s11, $0x2;
	(pc) =	sbr.rel @!p2 .LBB1_6-.Ltmp1, $4  }
0x1a: {  	s15 =	simm.s32 @!p1 $0x2  }
0x1b: {  	s13 =	smov.u32 s10;
	p0 =	por !p0, !p0;
	_ =	swait.ge @!p1 [sflag:s15], $0x2000  }
0x1c: {  	s12 =	smov.u32 s9;
	[sflag:s15] =	ssyncset.done @!p1 $0x0;
	s9 =	smov.u32 s14  }
0x1d: {  	s11 =	sadd.s32 $0x1, s11;
	[sflag:s15] =	ssyncadd.s32 @!p1 $0xFFFFE000;
	s10 =	smov.u32 s16  }
.LBB1_1:
0x1e: {  	p1 =	sge.u32 s11, s5  }
0x1f: {  	s14 =	sand.u32 @!p1 $0x1FFFFFF, s9  }
0x20: {  	s15 =	smulhi.u32 @!p1 $0x147AE15, s14;
	_ =	sdelay $0x1  }
0x21: {  	s15 =	smul.u32 @!p1 $0xC8, s15  }
0x22: {  	s16 =	sxor.u32 @!p1 $0xFFFFFFFF, s11;
	s17 =	smul.u32 @!p1 $0xC80, s10  }
0x23: {  	s31 =	sadd.s32 $0xFFFFFFFF, s11;
	s16 =	sshll.u32 @!p1 s16, $0xD;
	s14 =	ssub.s32 @!p1 s14, s15  }
0x24: {  	s15 =	sand.u32 @!p1 $0x2000, s16;
	s16 =	sadd.s32 @!p1 s6, s17;
	s14 =	sshll.u32 @!p1 s14, $0x4  }
0x25: {  	s17 =	simm.s32 @!p1 $0x6400;
	s14 =	sadd.s32 @!p1 s14, s16;
	s16 =	simm.s32 @!p1 $0x40  }
0x26: {  	[tilespmem:s15], [sflag:$0x1] =	stream.strided.gather @!p1 [hbm4b:s14+s16], $0x2000, s17, s16, $0x38;
	[tilespmem:$0x8080] =	vst v63  }
0x27: {  	p1 =	sge.u32 s31, s5  }
.Ltmp2:
0x28: {  	_ = 	snop;
	(pc) =	sbr.rel @p1 .LBB1_5-.Ltmp2, $1  }
0x29: {  	_ =	sdelay $0x3  }
0x2a: {  	s14 =	simm.s32 $0x1  }
0x2b: {  	_ =	swait.ge [sflag:s4], $0x2000;
	s14 =	simm.s32 @!p0 $0x0  }
0x2c: {  	[sflag:s4] =	ssyncset.done $0x0;
	s15 =	sshll.u32 s14, $0xD  }
0x2d: {  	[sflag:s4] =	ssyncadd.s32 $0xFFFFE000;
	s18 =	sor.u32 $0x20, s15  }
0x2e: {  	s14 =	smul.u32 $0x8100, s14;
	v3 =	vld [tilespmem:s18+$0x10]  }
0x2f: {  	s30 =	sand.u32 $0x1, s11;
	v2 =	vld [tilespmem:s18+$0xFFFFFFF0]  }
0x30: {  	s15 =	smul.u32 $0x8100, s30;
	s14 =	sshrl.u32 s14, $0x2;
	v0 =	vld [tilespmem:s18+$0x0]  }
0x31: {  	v1 =	vld [tilespmem:s18+$0xFFFFFFE0];
	s16 =	sor.u32 $0x4000, s14  }
0x32: {  	s31 =	sshrl.u32 s15, $0x2;
	s15 =	sadd.s32 $0x0, s16  }
0x33: {  	s17 =	simm.s32 $0x4;
	s18 =	sadd.s32 $0x40, s18;
	s14 =	sor.u32 $0x4000, s31;
	[tilespmem:s15+$0x1830 ss:$0x81] =	vst.msk $0xffff, v3  }
.LBB1_3:
0x34: {  	v3 =	vld [tilespmem:s18+$0x10];
	p1 =	sne.s32 s17, $0x1FC;
	[tilespmem:s15+$0x810 ss:$0x81] =	vst.msk $0xffff, v2;
	s19 =	smov.u32 s17;
	s17 =	sadd.s32 $0x4, s17  }
.Ltmp3:
0x35: {  	v2 =	vld [tilespmem:s18+$0xFFFFFFF0];
	[tilespmem:s15+$0x1020 ss:$0x81] =	vst.msk $0xffff, v0;
	(pc) =	sbr.rel @p1 .LBB1_3-.Ltmp3, $4  }
0x36: {  	v0 =	vld [tilespmem:s18+$0x0];
	[tilespmem:s15+$0x0 ss:$0x81] =	vst.msk $0xffff, v1  }
0x37: {  	s15 =	sshra.s32 s19, $0x2;
	v1 =	vld [tilespmem:s18+$0xFFFFFFE0]  }
0x38: {  	s15 =	sadd.s32 s15, s16  }
0x39: {  	s18 =	sadd.s32 $0x40, s18;
	[tilespmem:s15+$0x1830 ss:$0x81] =	vst.msk $0xffff, v3  }
.Ltmp4:
0x3a: {  	_ = 	snop;
	(pc) =	sbr.rel .LBB1_4-.Ltmp4, $1  }
0x3b: {  	_ =	sdelay $0x3  }
.LBB1_6:
0x3c: {  	_ =	sfence.sel $0x180000  }
0x3d: {  	s2 =	simm.s32 $0x1;
	[bflag:$0x0] =	sbarrier.arrive $0xFFFF  }
0x3e: {  	s31 =	simm.s32 $0x2;
	[sflag:s2] =	ssyncpa.u1 $0x1  }
0x3f: {  	[sflag:s31] =	ssyncpa.u1 $0x1  }
0x40: {  	p0 =	sne.s32 s0, $0x0;
	_ =	strace $0x9000004A  }
0x41: {  	s0 =	sadd.s32 @!p0 $0x100000, s1;
	[bflag:$0x2] =	sbarrier.arrive $0xFFFF  }
0x42: {  	[sflag:s0] =	ssyncadd.tile.s32 @!p0 $0x1;
	_ =	shalt  }
.Lfunc_end1:
_tile_overlayer_lowered:
.L_overlay_start_2:
0x43: {  	(tag) =	ssettag $0x2  }
0x44: {  	s0 =	rddreg [dreg:$0x0];
	s2 =	stileid.u32  }
0x45: {  	s1 =	rddreg [dreg:$0x1];
	p0 =	sne.s32 s2, $0x0  }
0x46: {  	s3 =	rddreg [dreg:$0x2];
	[bflag:$0x3] =	sbarrier.arrive $0xFFFF;
	s2 =	simm.s32 @!p0 $0x1C01  }
0x47: {  	[timem:s3], [sflag:s2] =	dma.local @!p0 [hbm:s0], s1  }
0x48: {  	s0 =	simm.s32 @!p0 $0x1  }
0x49: {  	_ =	swait.ge @!p0 [sflag:s0], s1  }
0x4a: {  	s1 =	ssub.s32 @!p0 $0x0, s1;
	[sflag:s0] =	ssyncset.done @!p0 $0x0  }
0x4b: {  	[sflag:s0] =	ssyncadd.s32 @!p0 s1  }
0x4c: {  	[bflag:$0x3] =	sbarrier.arrive $0xFFFF  }
0x4d: {  	_ =	shalt  }

</sc_bundles>
